<compile_context>
chip_gen: v7x
topology: tpu7x:2x2x1
jax: 0.10.2.dev20260603
libtpu: 0.0.44.dev20260713+nightly
codegen_flags: <defaults>
</compile_context>

<pallas_src>
import functools
import math

import jax
import jax.numpy as jnp
from jax import lax
from jax.experimental import pallas as pl
from jax.experimental.pallas import tpu as pltpu
from jax.experimental.pallas import tpu_sc as plsc

N_CLASSES = 1000
SMOOTHING = 0.1
CONFIDENCE = 1.0 - SMOOTHING
SV = SMOOTHING / (N_CLASSES - 1)

_NC = 2
_NS = 16
_L = 16
_NW = _NC * _NS
_CHUNK = 128


def _make_sc_gather_sum(B: int):
    bpw = B // _NW
    nchunk = bpw // _CHUNK
    mesh = plsc.VectorSubcoreMesh(core_axis_name="c", subcore_axis_name="s")

    @functools.partial(
        pl.kernel,
        mesh=mesh,
        out_type=jax.ShapeDtypeStruct((_NW, _L), jnp.float32),
        scratch_types=[
            pltpu.VMEM((bpw,), jnp.int32),
            pltpu.VMEM((nchunk, _CHUNK), jnp.int32),
            pltpu.VMEM((nchunk, _CHUNK), jnp.float32),
            pltpu.VMEM((_L,), jnp.float32),
            pltpu.SemaphoreType.DMA,
        ],
    )
    def sc_gather_sum(flat_hbm, tgt_hbm, out_hbm, tgt_v, idx_v, gat_v, acc_v, sem):
        wid = lax.axis_index("s") * _NC + lax.axis_index("c")
        base = wid * bpw
        pltpu.sync_copy(tgt_hbm.at[pl.ds(base, bpw)], tgt_v)
        for j in range(nchunk):
            for k in range(_CHUNK // _L):
                off = j * _CHUNK + k * _L
                t16 = tgt_v[pl.ds(off, _L)]
                row16 = lax.iota(jnp.int32, _L) + (base + off)
                idx_v[j, pl.ds(k * _L, _L)] = row16 * N_CLASSES + t16
        copies = [
            pltpu.async_copy(flat_hbm.at[idx_v.at[j]], gat_v.at[j], sem)
            for j in range(nchunk)
        ]
        for c in copies:
            c.wait()
        acc = jnp.zeros((_L,), jnp.float32)
        for j in range(nchunk):
            for k in range(_CHUNK // _L):
                acc = acc + gat_v[j, pl.ds(k * _L, _L)]
        acc_v[...] = acc
        pltpu.sync_copy(acc_v, out_hbm.at[wid])

    return sc_gather_sum


_BB = 512


def _tc_body(x_ref, acc_ref):
    i = pl.program_id(0)
    x = x_ref[...]
    m = jnp.max(x, axis=1)
    s = jnp.sum(jnp.exp(x - m[:, None]), axis=1)
    lse = m + jnp.log(s)
    p_a = jnp.sum(lse)
    p_r = jnp.sum(x)

    @pl.when(i == 0)
    def _init():
        acc_ref[...] = jnp.zeros_like(acc_ref)

    row = lax.broadcasted_iota(jnp.int32, (8, 128), 0)
    acc_ref[...] += jnp.where(row == 0, p_a, jnp.where(row == 1, p_r, 0.0))


def kernel(output, target):
    B, C = output.shape
    assert C == N_CLASSES and B % (_NW * _CHUNK) == 0 and B % _BB == 0

    g_parts = _make_sc_gather_sum(B)(
        output.reshape(-1), target.astype(jnp.int32)
    )

    acc = pl.pallas_call(
        _tc_body,
        grid=(B // _BB,),
        in_specs=[pl.BlockSpec((_BB, C), lambda i: (i, 0))],
        out_specs=pl.BlockSpec((8, 128), lambda i: (0, 0)),
        out_shape=jax.ShapeDtypeStruct((8, 128), jnp.float32),
    )(output)

    a_sum = acc[0, 0]
    r_sum = acc[1, 0]
    g_sum = jnp.sum(g_parts)

    const = B * ((N_CLASSES - 1) * SV * math.log(SV)
                 + CONFIDENCE * math.log(CONFIDENCE))
    loss = (const
            - SV * (r_sum - N_CLASSES * a_sum)
            - (CONFIDENCE - SV) * (g_sum - a_sum))
    return loss.astype(output.dtype)

# --- scband reference (transcript-rebuilt; emitter-appended) ---
"""Pipeline reference for scband-label-smoothing-loss-8512625180818 (READ-ONLY COPY).

The authoritative reference and input builder live on the scoring server;
editing this copy changes nothing except your own understanding.
"""

import jax, jax.numpy as jnp
import numpy as np

N_CLASSES = 1000
SMOOTHING = 0.1
CONFIDENCE = 1.0 - SMOOTHING
SMOOTHING_VALUE = SMOOTHING / (N_CLASSES - 1)


def setup_inputs(seed: int = 0) -> dict:
    key = jax.random.key(seed)
    k1, k2 = jax.random.split(key)
    output = jax.random.normal(k1, (16384, N_CLASSES), dtype=jnp.float32)
    target = jax.random.randint(k2, (16384,), 0, N_CLASSES, dtype=jnp.int64 if jax.config.jax_enable_x64 else jnp.int32)
    return {"output": output, "target": target}


def reference(output, target):
    B = target.shape[0]
    # model_prob = one_hot-smoothed distribution; scatter confidence at target index
    model_prob = jnp.full((B, N_CLASSES), SMOOTHING_VALUE, dtype=output.dtype)
    model_prob = model_prob.at[jnp.arange(B), target].set(CONFIDENCE)
    logp = jax.nn.log_softmax(output, axis=1)
    # F.kl_div(input=logp, target=model_prob, reduction='sum') with log_target=False:
    # sum( target * (log(target) - input) )
    loss = jnp.sum(model_prob * (jnp.log(model_prob) - logp))
    return loss

if __name__ == "__main__":
    import jax
    _d = setup_inputs()
    print(jax.jit(kernel)(*tuple(_d.values())))

</pallas_src>

<mosaic_0001>
#map = affine_map<(d0, d1) -> (0)>
#map1 = affine_map<(d0, d1) -> (0, 0)>
module attributes {stable_mosaic.version = 14 : i64} {
  func.func @sc_gather_sum(%arg0: i32, %arg1: i32, %arg2: memref<16384000xf32, #tpu.memory_space<hbm>>, %arg3: memref<16384xi32, #tpu.memory_space<hbm>>, %arg4: memref<32x16xf32, #tpu.memory_space<hbm>>, %arg5: memref<512xi32, #tpu.memory_space<vmem>>, %arg6: memref<4x128xi32, #tpu.memory_space<vmem>>, %arg7: memref<4x128xf32, #tpu.memory_space<vmem>>, %arg8: memref<16xf32, #tpu.memory_space<vmem>>, %arg9: memref<!tpu.dma_semaphore, #tpu.memory_space<semaphore_mem>>) attributes {dimension_semantics = [#tpu.dimension_semantics<core_parallel>, #tpu.dimension_semantics<subcore_parallel>], iteration_bounds = array<i64: 2, 16>, scalar_prefetch = 0 : i64, scratch_operands = 5 : i64, tpu.core_type = #tpu.core_type<sc_vector_subcore>, window_params = [{transform_indices = #map}, {transform_indices = #map}, {transform_indices = #map1}]} {
    %mul3A = arith.constant 2 : i32
    %mul3A_0 = arith.muli %arg1, %mul3A : i32
    %add3A = arith.addi %mul3A_0, %arg0 : i32
    %mul3A_1 = arith.constant 512 : i32
    %mul3A_2 = arith.muli %add3A, %mul3A_1 : i32
    "tpu.region"() ({
      %run_scoped3A = tpu.sem_alloc : memref<!tpu.dma_semaphore, #tpu.memory_space<semaphore_mem>>
      %dma_start3A_851 = tpu.memref_slice %arg3[%mul3A_2] : memref<16384xi32, #tpu.memory_space<hbm>> -> memref<512xi32, #tpu.memory_space<hbm>>
      %dma_start3A_852 = tpu.memref_slice %arg3[%mul3A_2] : memref<16384xi32, #tpu.memory_space<hbm>> -> memref<512xi32, #tpu.memory_space<hbm>>
      tpu.enqueue_dma source(%dma_start3A_852 : memref<512xi32, #tpu.memory_space<hbm>>) target(%arg5 : memref<512xi32, #tpu.memory_space<vmem>>) target_semaphore(%run_scoped3A : memref<!tpu.dma_semaphore, #tpu.memory_space<semaphore_mem>>)
      %dma_wait3A_853 = tpu.memref_slice %arg3[%mul3A_2] : memref<16384xi32, #tpu.memory_space<hbm>> -> memref<512xi32, #tpu.memory_space<hbm>>
      %dma_wait3A_854 = tpu.memref_slice %arg3[%mul3A_2] : memref<16384xi32, #tpu.memory_space<hbm>> -> memref<512xi32, #tpu.memory_space<hbm>>
      tpu.wait_dma2 semaphore(%run_scoped3A : memref<!tpu.dma_semaphore, #tpu.memory_space<semaphore_mem>>) src(%dma_wait3A_854 : memref<512xi32, #tpu.memory_space<hbm>>) dst(%arg5 : memref<512xi32, #tpu.memory_space<vmem>>)
      tpu.yield
    }) : () -> ()
    %get3A = arith.constant 0 : index
    %get3A_3 = tpu.vector_load %arg5[%get3A] {strides = array<i32>} : memref<512xi32, #tpu.memory_space<vmem>>, vector<16xi32>,
    %get3A_4 = vector.shape_cast %get3A_3 : vector<16xi32> to vector<16xi32>
    %iota3A = tpu.iota {dimensions = array<i32: 0>} : vector<16xi32>
    %add3A_5 = arith.constant 0 : i32
    %add3A_6 = arith.addi %mul3A_2, %add3A_5 : i32
    %add3A_7 = vector.broadcast %add3A_6 : i32 to vector<16xi32>
    %add3A_8 = arith.addi %iota3A, %add3A_7 : vector<16xi32>
    %mul3A_9 = arith.constant 1000 : i32
    %mul3A_10 = vector.broadcast %mul3A_9 : i32 to vector<16xi32>
    %mul3A_11 = arith.muli %add3A_8, %mul3A_10 : vector<16xi32>
    %add3A_12 = arith.addi %mul3A_11, %get3A_4 : vector<16xi32>
    %swap3A = arith.constant 0 : i32
    %swap3A_13 = arith.index_cast %swap3A : i32 to index
    %swap3A_14 = arith.constant 0 : index
    %swap3A_15 = tpu.vector_load %arg6[%swap3A_13, %swap3A_14] {strides = array<i32>} : memref<4x128xi32, #tpu.memory_space<vmem>>, vector<1x16xi32>,
    %swap3A_16 = vector.shape_cast %swap3A_15 : vector<1x16xi32> to vector<16xi32>
    %swap3A_17 = vector.shape_cast %add3A_12 : vector<16xi32> to vector<1x16xi32>
    tpu.vector_store %arg6[%swap3A_13, %swap3A_14], %swap3A_17 {strides = array<i32>} : memref<4x128xi32, #tpu.memory_space<vmem>>, vector<1x16xi32>,
    %get3A_18 = arith.constant 16 : index
    %get3A_19 = tpu.vector_load %arg5[%get3A_18] {strides = array<i32>} : memref<512xi32, #tpu.memory_space<vmem>>, vector<16xi32>,
    %get3A_20 = vector.shape_cast %get3A_19 : vector<16xi32> to vector<16xi32>
    %iota3A_21 = tpu.iota {dimensions = array<i32: 0>} : vector<16xi32>
    %add3A_22 = arith.constant 16 : i32
    %add3A_23 = arith.addi %mul3A_2, %add3A_22 : i32
    %add3A_24 = vector.broadcast %add3A_23 : i32 to vector<16xi32>
    %add3A_25 = arith.addi %iota3A_21, %add3A_24 : vector<16xi32>
    %mul3A_26 = arith.constant 1000 : i32
    %mul3A_27 = vector.broadcast %mul3A_26 : i32 to vector<16xi32>
    %mul3A_28 = arith.muli %add3A_25, %mul3A_27 : vector<16xi32>
    %add3A_29 = arith.addi %mul3A_28, %get3A_20 : vector<16xi32>
    %swap3A_30 = arith.constant 0 : i32
    %swap3A_31 = arith.index_cast %swap3A_30 : i32 to index
    %swap3A_32 = arith.constant 16 : index
    %swap3A_33 = tpu.vector_load %arg6[%swap3A_31, %swap3A_32] {strides = array<i32>} : memref<4x128xi32, #tpu.memory_space<vmem>>, vector<1x16xi32>,
    %swap3A_34 = vector.shape_cast %swap3A_33 : vector<1x16xi32> to vector<16xi32>
    %swap3A_35 = vector.shape_cast %add3A_29 : vector<16xi32> to vector<1x16xi32>
    tpu.vector_store %arg6[%swap3A_31, %swap3A_32], %swap3A_35 {strides = array<i32>} : memref<4x128xi32, #tpu.memory_space<vmem>>, vector<1x16xi32>,
    %get3A_36 = arith.constant 32 : index
    %get3A_37 = tpu.vector_load %arg5[%get3A_36] {strides = array<i32>} : memref<512xi32, #tpu.memory_space<vmem>>, vector<16xi32>,
    %get3A_38 = vector.shape_cast %get3A_37 : vector<16xi32> to vector<16xi32>
    %iota3A_39 = tpu.iota {dimensions = array<i32: 0>} : vector<16xi32>
    %add3A_40 = arith.constant 32 : i32
    %add3A_41 = arith.addi %mul3A_2, %add3A_40 : i32
    %add3A_42 = vector.broadcast %add3A_41 : i32 to vector<16xi32>
    %add3A_43 = arith.addi %iota3A_39, %add3A_42 : vector<16xi32>
    %mul3A_44 = arith.constant 1000 : i32
    %mul3A_45 = vector.broadcast %mul3A_44 : i32 to vector<16xi32>
    %mul3A_46 = arith.muli %add3A_43, %mul3A_45 : vector<16xi32>
    %add3A_47 = arith.addi %mul3A_46, %get3A_38 : vector<16xi32>
    %swap3A_48 = arith.constant 0 : i32
    %swap3A_49 = arith.index_cast %swap3A_48 : i32 to index
    %swap3A_50 = arith.constant 32 : index
    %swap3A_51 = tpu.vector_load %arg6[%swap3A_49, %swap3A_50] {strides = array<i32>} : memref<4x128xi32, #tpu.memory_space<vmem>>, vector<1x16xi32>,
    %swap3A_52 = vector.shape_cast %swap3A_51 : vector<1x16xi32> to vector<16xi32>
    %swap3A_53 = vector.shape_cast %add3A_47 : vector<16xi32> to vector<1x16xi32>
    tpu.vector_store %arg6[%swap3A_49, %swap3A_50], %swap3A_53 {strides = array<i32>} : memref<4x128xi32, #tpu.memory_space<vmem>>, vector<1x16xi32>,
    %get3A_54 = arith.constant 48 : index
    %get3A_55 = tpu.vector_load %arg5[%get3A_54] {strides = array<i32>} : memref<512xi32, #tpu.memory_space<vmem>>, vector<16xi32>,
    %get3A_56 = vector.shape_cast %get3A_55 : vector<16xi32> to vector<16xi32>
    %iota3A_57 = tpu.iota {dimensions = array<i32: 0>} : vector<16xi32>
    %add3A_58 = arith.constant 48 : i32
    %add3A_59 = arith.addi %mul3A_2, %add3A_58 : i32
    %add3A_60 = vector.broadcast %add3A_59 : i32 to vector<16xi32>
    %add3A_61 = arith.addi %iota3A_57, %add3A_60 : vector<16xi32>
    %mul3A_62 = arith.constant 1000 : i32
    %mul3A_63 = vector.broadcast %mul3A_62 : i32 to vector<16xi32>
    %mul3A_64 = arith.muli %add3A_61, %mul3A_63 : vector<16xi32>
    %add3A_65 = arith.addi %mul3A_64, %get3A_56 : vector<16xi32>
    %swap3A_66 = arith.constant 0 : i32
    %swap3A_67 = arith.index_cast %swap3A_66 : i32 to index
    %swap3A_68 = arith.constant 48 : index
    %swap3A_69 = tpu.vector_load %arg6[%swap3A_67, %swap3A_68] {strides = array<i32>} : memref<4x128xi32, #tpu.memory_space<vmem>>, vector<1x16xi32>,
    %swap3A_70 = vector.shape_cast %swap3A_69 : vector<1x16xi32> to vector<16xi32>
    %swap3A_71 = vector.shape_cast %add3A_65 : vector<16xi32> to vector<1x16xi32>
    tpu.vector_store %arg6[%swap3A_67, %swap3A_68], %swap3A_71 {strides = array<i32>} : memref<4x128xi32, #tpu.memory_space<vmem>>, vector<1x16xi32>,
    %get3A_72 = arith.constant 64 : index
    %get3A_73 = tpu.vector_load %arg5[%get3A_72] {strides = array<i32>} : memref<512xi32, #tpu.memory_space<vmem>>, vector<16xi32>,
    %get3A_74 = vector.shape_cast %get3A_73 : vector<16xi32> to vector<16xi32>
    %iota3A_75 = tpu.iota {dimensions = array<i32: 0>} : vector<16xi32>
    %add3A_76 = arith.constant 64 : i32
    %add3A_77 = arith.addi %mul3A_2, %add3A_76 : i32
    %add3A_78 = vector.broadcast %add3A_77 : i32 to vector<16xi32>
    %add3A_79 = arith.addi %iota3A_75, %add3A_78 : vector<16xi32>
    %mul3A_80 = arith.constant 1000 : i32
    %mul3A_81 = vector.broadcast %mul3A_80 : i32 to vector<16xi32>
    %mul3A_82 = arith.muli %add3A_79, %mul3A_81 : vector<16xi32>
    %add3A_83 = arith.addi %mul3A_82, %get3A_74 : vector<16xi32>
    %swap3A_84 = arith.constant 0 : i32
    %swap3A_85 = arith.index_cast %swap3A_84 : i32 to index
    %swap3A_86 = arith.constant 64 : index
    %swap3A_87 = tpu.vector_load %arg6[%swap3A_85, %swap3A_86] {strides = array<i32>} : memref<4x128xi32, #tpu.memory_space<vmem>>, vector<1x16xi32>,
    %swap3A_88 = vector.shape_cast %swap3A_87 : vector<1x16xi32> to vector<16xi32>
    %swap3A_89 = vector.shape_cast %add3A_83 : vector<16xi32> to vector<1x16xi32>
    tpu.vector_store %arg6[%swap3A_85, %swap3A_86], %swap3A_89 {strides = array<i32>} : memref<4x128xi32, #tpu.memory_space<vmem>>, vector<1x16xi32>,
    %get3A_90 = arith.constant 80 : index
    %get3A_91 = tpu.vector_load %arg5[%get3A_90] {strides = array<i32>} : memref<512xi32, #tpu.memory_space<vmem>>, vector<16xi32>,
    %get3A_92 = vector.shape_cast %get3A_91 : vector<16xi32> to vector<16xi32>
    %iota3A_93 = tpu.iota {dimensions = array<i32: 0>} : vector<16xi32>
    %add3A_94 = arith.constant 80 : i32
    %add3A_95 = arith.addi %mul3A_2, %add3A_94 : i32
    %add3A_96 = vector.broadcast %add3A_95 : i32 to vector<16xi32>
    %add3A_97 = arith.addi %iota3A_93, %add3A_96 : vector<16xi32>
    %mul3A_98 = arith.constant 1000 : i32
    %mul3A_99 = vector.broadcast %mul3A_98 : i32 to vector<16xi32>
    %mul3A_100 = arith.muli %add3A_97, %mul3A_99 : vector<16xi32>
    %add3A_101 = arith.addi %mul3A_100, %get3A_92 : vector<16xi32>
    %swap3A_102 = arith.constant 0 : i32
    %swap3A_103 = arith.index_cast %swap3A_102 : i32 to index
    %swap3A_104 = arith.constant 80 : index
    %swap3A_105 = tpu.vector_load %arg6[%swap3A_103, %swap3A_104] {strides = array<i32>} : memref<4x128xi32, #tpu.memory_space<vmem>>, vector<1x16xi32>,
    %swap3A_106 = vector.shape_cast %swap3A_105 : vector<1x16xi32> to vector<16xi32>
    %swap3A_107 = vector.shape_cast %add3A_101 : vector<16xi32> to vector<1x16xi32>
    tpu.vector_store %arg6[%swap3A_103, %swap3A_104], %swap3A_107 {strides = array<i32>} : memref<4x128xi32, #tpu.memory_space<vmem>>, vector<1x16xi32>,
    %get3A_108 = arith.constant 96 : index
    %get3A_109 = tpu.vector_load %arg5[%get3A_108] {strides = array<i32>} : memref<512xi32, #tpu.memory_space<vmem>>, vector<16xi32>,
    %get3A_110 = vector.shape_cast %get3A_109 : vector<16xi32> to vector<16xi32>
    %iota3A_111 = tpu.iota {dimensions = array<i32: 0>} : vector<16xi32>
    %add3A_112 = arith.constant 96 : i32
    %add3A_113 = arith.addi %mul3A_2, %add3A_112 : i32
    %add3A_114 = vector.broadcast %add3A_113 : i32 to vector<16xi32>
    %add3A_115 = arith.addi %iota3A_111, %add3A_114 : vector<16xi32>
    %mul3A_116 = arith.constant 1000 : i32
    %mul3A_117 = vector.broadcast %mul3A_116 : i32 to vector<16xi32>
    %mul3A_118 = arith.muli %add3A_115, %mul3A_117 : vector<16xi32>
    %add3A_119 = arith.addi %mul3A_118, %get3A_110 : vector<16xi32>
    %swap3A_120 = arith.constant 0 : i32
    %swap3A_121 = arith.index_cast %swap3A_120 : i32 to index
    %swap3A_122 = arith.constant 96 : index
    %swap3A_123 = tpu.vector_load %arg6[%swap3A_121, %swap3A_122] {strides = array<i32>} : memref<4x128xi32, #tpu.memory_space<vmem>>, vector<1x16xi32>,
    %swap3A_124 = vector.shape_cast %swap3A_123 : vector<1x16xi32> to vector<16xi32>
    %swap3A_125 = vector.shape_cast %add3A_119 : vector<16xi32> to vector<1x16xi32>
    tpu.vector_store %arg6[%swap3A_121, %swap3A_122], %swap3A_125 {strides = array<i32>} : memref<4x128xi32, #tpu.memory_space<vmem>>, vector<1x16xi32>,
    %get3A_126 = arith.constant 112 : index
    %get3A_127 = tpu.vector_load %arg5[%get3A_126] {strides = array<i32>} : memref<512xi32, #tpu.memory_space<vmem>>, vector<16xi32>,
    %get3A_128 = vector.shape_cast %get3A_127 : vector<16xi32> to vector<16xi32>
    %iota3A_129 = tpu.iota {dimensions = array<i32: 0>} : vector<16xi32>
    %add3A_130 = arith.constant 112 : i32
    %add3A_131 = arith.addi %mul3A_2, %add3A_130 : i32
    %add3A_132 = vector.broadcast %add3A_131 : i32 to vector<16xi32>
    %add3A_133 = arith.addi %iota3A_129, %add3A_132 : vector<16xi32>
    %mul3A_134 = arith.constant 1000 : i32
    %mul3A_135 = vector.broadcast %mul3A_134 : i32 to vector<16xi32>
    %mul3A_136 = arith.muli %add3A_133, %mul3A_135 : vector<16xi32>
    %add3A_137 = arith.addi %mul3A_136, %get3A_128 : vector<16xi32>
    %swap3A_138 = arith.constant 0 : i32
    %swap3A_139 = arith.index_cast %swap3A_138 : i32 to index
    %swap3A_140 = arith.constant 112 : index
    %swap3A_141 = tpu.vector_load %arg6[%swap3A_139, %swap3A_140] {strides = array<i32>} : memref<4x128xi32, #tpu.memory_space<vmem>>, vector<1x16xi32>,
    %swap3A_142 = vector.shape_cast %swap3A_141 : vector<1x16xi32> to vector<16xi32>
    %swap3A_143 = vector.shape_cast %add3A_137 : vector<16xi32> to vector<1x16xi32>
    tpu.vector_store %arg6[%swap3A_139, %swap3A_140], %swap3A_143 {strides = array<i32>} : memref<4x128xi32, #tpu.memory_space<vmem>>, vector<1x16xi32>,
    %get3A_144 = arith.constant 128 : index
    %get3A_145 = tpu.vector_load %arg5[%get3A_144] {strides = array<i32>} : memref<512xi32, #tpu.memory_space<vmem>>, vector<16xi32>,
    %get3A_146 = vector.shape_cast %get3A_145 : vector<16xi32> to vector<16xi32>
    %iota3A_147 = tpu.iota {dimensions = array<i32: 0>} : vector<16xi32>
    %add3A_148 = arith.constant 128 : i32
    %add3A_149 = arith.addi %mul3A_2, %add3A_148 : i32
    %add3A_150 = vector.broadcast %add3A_149 : i32 to vector<16xi32>
    %add3A_151 = arith.addi %iota3A_147, %add3A_150 : vector<16xi32>
    %mul3A_152 = arith.constant 1000 : i32
    %mul3A_153 = vector.broadcast %mul3A_152 : i32 to vector<16xi32>
    %mul3A_154 = arith.muli %add3A_151, %mul3A_153 : vector<16xi32>
    %add3A_155 = arith.addi %mul3A_154, %get3A_146 : vector<16xi32>
    %swap3A_156 = arith.constant 1 : i32
    %swap3A_157 = arith.index_cast %swap3A_156 : i32 to index
    %swap3A_158 = arith.constant 0 : index
    %swap3A_159 = tpu.vector_load %arg6[%swap3A_157, %swap3A_158] {strides = array<i32>} : memref<4x128xi32, #tpu.memory_space<vmem>>, vector<1x16xi32>,
    %swap3A_160 = vector.shape_cast %swap3A_159 : vector<1x16xi32> to vector<16xi32>
    %swap3A_161 = vector.shape_cast %add3A_155 : vector<16xi32> to vector<1x16xi32>
    tpu.vector_store %arg6[%swap3A_157, %swap3A_158], %swap3A_161 {strides = array<i32>} : memref<4x128xi32, #tpu.memory_space<vmem>>, vector<1x16xi32>,
    %get3A_162 = arith.constant 144 : index
    %get3A_163 = tpu.vector_load %arg5[%get3A_162] {strides = array<i32>} : memref<512xi32, #tpu.memory_space<vmem>>, vector<16xi32>,
    %get3A_164 = vector.shape_cast %get3A_163 : vector<16xi32> to vector<16xi32>
    %iota3A_165 = tpu.iota {dimensions = array<i32: 0>} : vector<16xi32>
    %add3A_166 = arith.constant 144 : i32
    %add3A_167 = arith.addi %mul3A_2, %add3A_166 : i32
    %add3A_168 = vector.broadcast %add3A_167 : i32 to vector<16xi32>
    %add3A_169 = arith.addi %iota3A_165, %add3A_168 : vector<16xi32>
    %mul3A_170 = arith.constant 1000 : i32
    %mul3A_171 = vector.broadcast %mul3A_170 : i32 to vector<16xi32>
    %mul3A_172 = arith.muli %add3A_169, %mul3A_171 : vector<16xi32>
    %add3A_173 = arith.addi %mul3A_172, %get3A_164 : vector<16xi32>
    %swap3A_174 = arith.constant 1 : i32
    %swap3A_175 = arith.index_cast %swap3A_174 : i32 to index
    %swap3A_176 = arith.constant 16 : index
    %swap3A_177 = tpu.vector_load %arg6[%swap3A_175, %swap3A_176] {strides = array<i32>} : memref<4x128xi32, #tpu.memory_space<vmem>>, vector<1x16xi32>,
    %swap3A_178 = vector.shape_cast %swap3A_177 : vector<1x16xi32> to vector<16xi32>
    %swap3A_179 = vector.shape_cast %add3A_173 : vector<16xi32> to vector<1x16xi32>
    tpu.vector_store %arg6[%swap3A_175, %swap3A_176], %swap3A_179 {strides = array<i32>} : memref<4x128xi32, #tpu.memory_space<vmem>>, vector<1x16xi32>,
    %get3A_180 = arith.constant 160 : index
    %get3A_181 = tpu.vector_load %arg5[%get3A_180] {strides = array<i32>} : memref<512xi32, #tpu.memory_space<vmem>>, vector<16xi32>,
    %get3A_182 = vector.shape_cast %get3A_181 : vector<16xi32> to vector<16xi32>
    %iota3A_183 = tpu.iota {dimensions = array<i32: 0>} : vector<16xi32>
    %add3A_184 = arith.constant 160 : i32
    %add3A_185 = arith.addi %mul3A_2, %add3A_184 : i32
    %add3A_186 = vector.broadcast %add3A_185 : i32 to vector<16xi32>
    %add3A_187 = arith.addi %iota3A_183, %add3A_186 : vector<16xi32>
    %mul3A_188 = arith.constant 1000 : i32
    %mul3A_189 = vector.broadcast %mul3A_188 : i32 to vector<16xi32>
    %mul3A_190 = arith.muli %add3A_187, %mul3A_189 : vector<16xi32>
    %add3A_191 = arith.addi %mul3A_190, %get3A_182 : vector<16xi32>
    %swap3A_192 = arith.constant 1 : i32
    %swap3A_193 = arith.index_cast %swap3A_192 : i32 to index
    %swap3A_194 = arith.constant 32 : index
    %swap3A_195 = tpu.vector_load %arg6[%swap3A_193, %swap3A_194] {strides = array<i32>} : memref<4x128xi32, #tpu.memory_space<vmem>>, vector<1x16xi32>,
    %swap3A_196 = vector.shape_cast %swap3A_195 : vector<1x16xi32> to vector<16xi32>
    %swap3A_197 = vector.shape_cast %add3A_191 : vector<16xi32> to vector<1x16xi32>
    tpu.vector_store %arg6[%swap3A_193, %swap3A_194], %swap3A_197 {strides = array<i32>} : memref<4x128xi32, #tpu.memory_space<vmem>>, vector<1x16xi32>,
    %get3A_198 = arith.constant 176 : index
    %get3A_199 = tpu.vector_load %arg5[%get3A_198] {strides = array<i32>} : memref<512xi32, #tpu.memory_space<vmem>>, vector<16xi32>,
    %get3A_200 = vector.shape_cast %get3A_199 : vector<16xi32> to vector<16xi32>
    %iota3A_201 = tpu.iota {dimensions = array<i32: 0>} : vector<16xi32>
    %add3A_202 = arith.constant 176 : i32
    %add3A_203 = arith.addi %mul3A_2, %add3A_202 : i32
    %add3A_204 = vector.broadcast %add3A_203 : i32 to vector<16xi32>
    %add3A_205 = arith.addi %iota3A_201, %add3A_204 : vector<16xi32>
    %mul3A_206 = arith.constant 1000 : i32
    %mul3A_207 = vector.broadcast %mul3A_206 : i32 to vector<16xi32>
    %mul3A_208 = arith.muli %add3A_205, %mul3A_207 : vector<16xi32>
    %add3A_209 = arith.addi %mul3A_208, %get3A_200 : vector<16xi32>
    %swap3A_210 = arith.constant 1 : i32
    %swap3A_211 = arith.index_cast %swap3A_210 : i32 to index
    %swap3A_212 = arith.constant 48 : index
    %swap3A_213 = tpu.vector_load %arg6[%swap3A_211, %swap3A_212] {strides = array<i32>} : memref<4x128xi32, #tpu.memory_space<vmem>>, vector<1x16xi32>,
    %swap3A_214 = vector.shape_cast %swap3A_213 : vector<1x16xi32> to vector<16xi32>
    %swap3A_215 = vector.shape_cast %add3A_209 : vector<16xi32> to vector<1x16xi32>
    tpu.vector_store %arg6[%swap3A_211, %swap3A_212], %swap3A_215 {strides = array<i32>} : memref<4x128xi32, #tpu.memory_space<vmem>>, vector<1x16xi32>,
    %get3A_216 = arith.constant 192 : index
    %get3A_217 = tpu.vector_load %arg5[%get3A_216] {strides = array<i32>} : memref<512xi32, #tpu.memory_space<vmem>>, vector<16xi32>,
    %get3A_218 = vector.shape_cast %get3A_217 : vector<16xi32> to vector<16xi32>
    %iota3A_219 = tpu.iota {dimensions = array<i32: 0>} : vector<16xi32>
    %add3A_220 = arith.constant 192 : i32
    %add3A_221 = arith.addi %mul3A_2, %add3A_220 : i32
    %add3A_222 = vector.broadcast %add3A_221 : i32 to vector<16xi32>
    %add3A_223 = arith.addi %iota3A_219, %add3A_222 : vector<16xi32>
    %mul3A_224 = arith.constant 1000 : i32
    %mul3A_225 = vector.broadcast %mul3A_224 : i32 to vector<16xi32>
    %mul3A_226 = arith.muli %add3A_223, %mul3A_225 : vector<16xi32>
    %add3A_227 = arith.addi %mul3A_226, %get3A_218 : vector<16xi32>
    %swap3A_228 = arith.constant 1 : i32
    %swap3A_229 = arith.index_cast %swap3A_228 : i32 to index
    %swap3A_230 = arith.constant 64 : index
    %swap3A_231 = tpu.vector_load %arg6[%swap3A_229, %swap3A_230] {strides = array<i32>} : memref<4x128xi32, #tpu.memory_space<vmem>>, vector<1x16xi32>,
    %swap3A_232 = vector.shape_cast %swap3A_231 : vector<1x16xi32> to vector<16xi32>
    %swap3A_233 = vector.shape_cast %add3A_227 : vector<16xi32> to vector<1x16xi32>
    tpu.vector_store %arg6[%swap3A_229, %swap3A_230], %swap3A_233 {strides = array<i32>} : memref<4x128xi32, #tpu.memory_space<vmem>>, vector<1x16xi32>,
    %get3A_234 = arith.constant 208 : index
    %get3A_235 = tpu.vector_load %arg5[%get3A_234] {strides = array<i32>} : memref<512xi32, #tpu.memory_space<vmem>>, vector<16xi32>,
    %get3A_236 = vector.shape_cast %get3A_235 : vector<16xi32> to vector<16xi32>
    %iota3A_237 = tpu.iota {dimensions = array<i32: 0>} : vector<16xi32>
    %add3A_238 = arith.constant 208 : i32
    %add3A_239 = arith.addi %mul3A_2, %add3A_238 : i32
    %add3A_240 = vector.broadcast %add3A_239 : i32 to vector<16xi32>
    %add3A_241 = arith.addi %iota3A_237, %add3A_240 : vector<16xi32>
    %mul3A_242 = arith.constant 1000 : i32
    %mul3A_243 = vector.broadcast %mul3A_242 : i32 to vector<16xi32>
    %mul3A_244 = arith.muli %add3A_241, %mul3A_243 : vector<16xi32>
    %add3A_245 = arith.addi %mul3A_244, %get3A_236 : vector<16xi32>
    %swap3A_246 = arith.constant 1 : i32
    %swap3A_247 = arith.index_cast %swap3A_246 : i32 to index
    %swap3A_248 = arith.constant 80 : index
    %swap3A_249 = tpu.vector_load %arg6[%swap3A_247, %swap3A_248] {strides = array<i32>} : memref<4x128xi32, #tpu.memory_space<vmem>>, vector<1x16xi32>,
    %swap3A_250 = vector.shape_cast %swap3A_249 : vector<1x16xi32> to vector<16xi32>
    %swap3A_251 = vector.shape_cast %add3A_245 : vector<16xi32> to vector<1x16xi32>
    tpu.vector_store %arg6[%swap3A_247, %swap3A_248], %swap3A_251 {strides = array<i32>} : memref<4x128xi32, #tpu.memory_space<vmem>>, vector<1x16xi32>,
    %get3A_252 = arith.constant 224 : index
    %get3A_253 = tpu.vector_load %arg5[%get3A_252] {strides = array<i32>} : memref<512xi32, #tpu.memory_space<vmem>>, vector<16xi32>,
    %get3A_254 = vector.shape_cast %get3A_253 : vector<16xi32> to vector<16xi32>
    %iota3A_255 = tpu.iota {dimensions = array<i32: 0>} : vector<16xi32>
    %add3A_256 = arith.constant 224 : i32
    %add3A_257 = arith.addi %mul3A_2, %add3A_256 : i32
    %add3A_258 = vector.broadcast %add3A_257 : i32 to vector<16xi32>
    %add3A_259 = arith.addi %iota3A_255, %add3A_258 : vector<16xi32>
    %mul3A_260 = arith.constant 1000 : i32
    %mul3A_261 = vector.broadcast %mul3A_260 : i32 to vector<16xi32>
    %mul3A_262 = arith.muli %add3A_259, %mul3A_261 : vector<16xi32>
    %add3A_263 = arith.addi %mul3A_262, %get3A_254 : vector<16xi32>
    %swap3A_264 = arith.constant 1 : i32
    %swap3A_265 = arith.index_cast %swap3A_264 : i32 to index
    %swap3A_266 = arith.constant 96 : index
    %swap3A_267 = tpu.vector_load %arg6[%swap3A_265, %swap3A_266] {strides = array<i32>} : memref<4x128xi32, #tpu.memory_space<vmem>>, vector<1x16xi32>,
    %swap3A_268 = vector.shape_cast %swap3A_267 : vector<1x16xi32> to vector<16xi32>
    %swap3A_269 = vector.shape_cast %add3A_263 : vector<16xi32> to vector<1x16xi32>
    tpu.vector_store %arg6[%swap3A_265, %swap3A_266], %swap3A_269 {strides = array<i32>} : memref<4x128xi32, #tpu.memory_space<vmem>>, vector<1x16xi32>,
    %get3A_270 = arith.constant 240 : index
    %get3A_271 = tpu.vector_load %arg5[%get3A_270] {strides = array<i32>} : memref<512xi32, #tpu.memory_space<vmem>>, vector<16xi32>,
    %get3A_272 = vector.shape_cast %get3A_271 : vector<16xi32> to vector<16xi32>
    %iota3A_273 = tpu.iota {dimensions = array<i32: 0>} : vector<16xi32>
    %add3A_274 = arith.constant 240 : i32
    %add3A_275 = arith.addi %mul3A_2, %add3A_274 : i32
    %add3A_276 = vector.broadcast %add3A_275 : i32 to vector<16xi32>
    %add3A_277 = arith.addi %iota3A_273, %add3A_276 : vector<16xi32>
    %mul3A_278 = arith.constant 1000 : i32
    %mul3A_279 = vector.broadcast %mul3A_278 : i32 to vector<16xi32>
    %mul3A_280 = arith.muli %add3A_277, %mul3A_279 : vector<16xi32>
    %add3A_281 = arith.addi %mul3A_280, %get3A_272 : vector<16xi32>
    %swap3A_282 = arith.constant 1 : i32
    %swap3A_283 = arith.index_cast %swap3A_282 : i32 to index
    %swap3A_284 = arith.constant 112 : index
    %swap3A_285 = tpu.vector_load %arg6[%swap3A_283, %swap3A_284] {strides = array<i32>} : memref<4x128xi32, #tpu.memory_space<vmem>>, vector<1x16xi32>,
    %swap3A_286 = vector.shape_cast %swap3A_285 : vector<1x16xi32> to vector<16xi32>
    %swap3A_287 = vector.shape_cast %add3A_281 : vector<16xi32> to vector<1x16xi32>
    tpu.vector_store %arg6[%swap3A_283, %swap3A_284], %swap3A_287 {strides = array<i32>} : memref<4x128xi32, #tpu.memory_space<vmem>>, vector<1x16xi32>,
    %get3A_288 = arith.constant 256 : index
    %get3A_289 = tpu.vector_load %arg5[%get3A_288] {strides = array<i32>} : memref<512xi32, #tpu.memory_space<vmem>>, vector<16xi32>,
    %get3A_290 = vector.shape_cast %get3A_289 : vector<16xi32> to vector<16xi32>
    %iota3A_291 = tpu.iota {dimensions = array<i32: 0>} : vector<16xi32>
    %add3A_292 = arith.constant 256 : i32
    %add3A_293 = arith.addi %mul3A_2, %add3A_292 : i32
    %add3A_294 = vector.broadcast %add3A_293 : i32 to vector<16xi32>
    %add3A_295 = arith.addi %iota3A_291, %add3A_294 : vector<16xi32>
    %mul3A_296 = arith.constant 1000 : i32
    %mul3A_297 = vector.broadcast %mul3A_296 : i32 to vector<16xi32>
    %mul3A_298 = arith.muli %add3A_295, %mul3A_297 : vector<16xi32>
    %add3A_299 = arith.addi %mul3A_298, %get3A_290 : vector<16xi32>
    %swap3A_300 = arith.constant 2 : i32
    %swap3A_301 = arith.index_cast %swap3A_300 : i32 to index
    %swap3A_302 = arith.constant 0 : index
    %swap3A_303 = tpu.vector_load %arg6[%swap3A_301, %swap3A_302] {strides = array<i32>} : memref<4x128xi32, #tpu.memory_space<vmem>>, vector<1x16xi32>,
    %swap3A_304 = vector.shape_cast %swap3A_303 : vector<1x16xi32> to vector<16xi32>
    %swap3A_305 = vector.shape_cast %add3A_299 : vector<16xi32> to vector<1x16xi32>
    tpu.vector_store %arg6[%swap3A_301, %swap3A_302], %swap3A_305 {strides = array<i32>} : memref<4x128xi32, #tpu.memory_space<vmem>>, vector<1x16xi32>,
    %get3A_306 = arith.constant 272 : index
    %get3A_307 = tpu.vector_load %arg5[%get3A_306] {strides = array<i32>} : memref<512xi32, #tpu.memory_space<vmem>>, vector<16xi32>,
    %get3A_308 = vector.shape_cast %get3A_307 : vector<16xi32> to vector<16xi32>
    %iota3A_309 = tpu.iota {dimensions = array<i32: 0>} : vector<16xi32>
    %add3A_310 = arith.constant 272 : i32
    %add3A_311 = arith.addi %mul3A_2, %add3A_310 : i32
    %add3A_312 = vector.broadcast %add3A_311 : i32 to vector<16xi32>
    %add3A_313 = arith.addi %iota3A_309, %add3A_312 : vector<16xi32>
    %mul3A_314 = arith.constant 1000 : i32
    %mul3A_315 = vector.broadcast %mul3A_314 : i32 to vector<16xi32>
    %mul3A_316 = arith.muli %add3A_313, %mul3A_315 : vector<16xi32>
    %add3A_317 = arith.addi %mul3A_316, %get3A_308 : vector<16xi32>
    %swap3A_318 = arith.constant 2 : i32
    %swap3A_319 = arith.index_cast %swap3A_318 : i32 to index
    %swap3A_320 = arith.constant 16 : index
    %swap3A_321 = tpu.vector_load %arg6[%swap3A_319, %swap3A_320] {strides = array<i32>} : memref<4x128xi32, #tpu.memory_space<vmem>>, vector<1x16xi32>,
    %swap3A_322 = vector.shape_cast %swap3A_321 : vector<1x16xi32> to vector<16xi32>
    %swap3A_323 = vector.shape_cast %add3A_317 : vector<16xi32> to vector<1x16xi32>
    tpu.vector_store %arg6[%swap3A_319, %swap3A_320], %swap3A_323 {strides = array<i32>} : memref<4x128xi32, #tpu.memory_space<vmem>>, vector<1x16xi32>,
    %get3A_324 = arith.constant 288 : index
    %get3A_325 = tpu.vector_load %arg5[%get3A_324] {strides = array<i32>} : memref<512xi32, #tpu.memory_space<vmem>>, vector<16xi32>,
    %get3A_326 = vector.shape_cast %get3A_325 : vector<16xi32> to vector<16xi32>
    %iota3A_327 = tpu.iota {dimensions = array<i32: 0>} : vector<16xi32>
    %add3A_328 = arith.constant 288 : i32
    %add3A_329 = arith.addi %mul3A_2, %add3A_328 : i32
    %add3A_330 = vector.broadcast %add3A_329 : i32 to vector<16xi32>
    %add3A_331 = arith.addi %iota3A_327, %add3A_330 : vector<16xi32>
    %mul3A_332 = arith.constant 1000 : i32
    %mul3A_333 = vector.broadcast %mul3A_332 : i32 to vector<16xi32>
    %mul3A_334 = arith.muli %add3A_331, %mul3A_333 : vector<16xi32>
    %add3A_335 = arith.addi %mul3A_334, %get3A_326 : vector<16xi32>
    %swap3A_336 = arith.constant 2 : i32
    %swap3A_337 = arith.index_cast %swap3A_336 : i32 to index
    %swap3A_338 = arith.constant 32 : index
    %swap3A_339 = tpu.vector_load %arg6[%swap3A_337, %swap3A_338] {strides = array<i32>} : memref<4x128xi32, #tpu.memory_space<vmem>>, vector<1x16xi32>,
    %swap3A_340 = vector.shape_cast %swap3A_339 : vector<1x16xi32> to vector<16xi32>
    %swap3A_341 = vector.shape_cast %add3A_335 : vector<16xi32> to vector<1x16xi32>
    tpu.vector_store %arg6[%swap3A_337, %swap3A_338], %swap3A_341 {strides = array<i32>} : memref<4x128xi32, #tpu.memory_space<vmem>>, vector<1x16xi32>,
    %get3A_342 = arith.constant 304 : index
    %get3A_343 = tpu.vector_load %arg5[%get3A_342] {strides = array<i32>} : memref<512xi32, #tpu.memory_space<vmem>>, vector<16xi32>,
    %get3A_344 = vector.shape_cast %get3A_343 : vector<16xi32> to vector<16xi32>
    %iota3A_345 = tpu.iota {dimensions = array<i32: 0>} : vector<16xi32>
    %add3A_346 = arith.constant 304 : i32
    %add3A_347 = arith.addi %mul3A_2, %add3A_346 : i32
    %add3A_348 = vector.broadcast %add3A_347 : i32 to vector<16xi32>
    %add3A_349 = arith.addi %iota3A_345, %add3A_348 : vector<16xi32>
    %mul3A_350 = arith.constant 1000 : i32
    %mul3A_351 = vector.broadcast %mul3A_350 : i32 to vector<16xi32>
    %mul3A_352 = arith.muli %add3A_349, %mul3A_351 : vector<16xi32>
    %add3A_353 = arith.addi %mul3A_352, %get3A_344 : vector<16xi32>
    %swap3A_354 = arith.constant 2 : i32
    %swap3A_355 = arith.index_cast %swap3A_354 : i32 to index
    %swap3A_356 = arith.constant 48 : index
    %swap3A_357 = tpu.vector_load %arg6[%swap3A_355, %swap3A_356] {strides = array<i32>} : memref<4x128xi32, #tpu.memory_space<vmem>>, vector<1x16xi32>,
    %swap3A_358 = vector.shape_cast %swap3A_357 : vector<1x16xi32> to vector<16xi32>
    %swap3A_359 = vector.shape_cast %add3A_353 : vector<16xi32> to vector<1x16xi32>
    tpu.vector_store %arg6[%swap3A_355, %swap3A_356], %swap3A_359 {strides = array<i32>} : memref<4x128xi32, #tpu.memory_space<vmem>>, vector<1x16xi32>,
    %get3A_360 = arith.constant 320 : index
    %get3A_361 = tpu.vector_load %arg5[%get3A_360] {strides = array<i32>} : memref<512xi32, #tpu.memory_space<vmem>>, vector<16xi32>,
    %get3A_362 = vector.shape_cast %get3A_361 : vector<16xi32> to vector<16xi32>
    %iota3A_363 = tpu.iota {dimensions = array<i32: 0>} : vector<16xi32>
    %add3A_364 = arith.constant 320 : i32
    %add3A_365 = arith.addi %mul3A_2, %add3A_364 : i32
    %add3A_366 = vector.broadcast %add3A_365 : i32 to vector<16xi32>
    %add3A_367 = arith.addi %iota3A_363, %add3A_366 : vector<16xi32>
    %mul3A_368 = arith.constant 1000 : i32
    %mul3A_369 = vector.broadcast %mul3A_368 : i32 to vector<16xi32>
    %mul3A_370 = arith.muli %add3A_367, %mul3A_369 : vector<16xi32>
    %add3A_371 = arith.addi %mul3A_370, %get3A_362 : vector<16xi32>
    %swap3A_372 = arith.constant 2 : i32
    %swap3A_373 = arith.index_cast %swap3A_372 : i32 to index
    %swap3A_374 = arith.constant 64 : index
    %swap3A_375 = tpu.vector_load %arg6[%swap3A_373, %swap3A_374] {strides = array<i32>} : memref<4x128xi32, #tpu.memory_space<vmem>>, vector<1x16xi32>,
    %swap3A_376 = vector.shape_cast %swap3A_375 : vector<1x16xi32> to vector<16xi32>
    %swap3A_377 = vector.shape_cast %add3A_371 : vector<16xi32> to vector<1x16xi32>
    tpu.vector_store %arg6[%swap3A_373, %swap3A_374], %swap3A_377 {strides = array<i32>} : memref<4x128xi32, #tpu.memory_space<vmem>>, vector<1x16xi32>,
    %get3A_378 = arith.constant 336 : index
    %get3A_379 = tpu.vector_load %arg5[%get3A_378] {strides = array<i32>} : memref<512xi32, #tpu.memory_space<vmem>>, vector<16xi32>,
    %get3A_380 = vector.shape_cast %get3A_379 : vector<16xi32> to vector<16xi32>
    %iota3A_381 = tpu.iota {dimensions = array<i32: 0>} : vector<16xi32>
    %add3A_382 = arith.constant 336 : i32
    %add3A_383 = arith.addi %mul3A_2, %add3A_382 : i32
    %add3A_384 = vector.broadcast %add3A_383 : i32 to vector<16xi32>
    %add3A_385 = arith.addi %iota3A_381, %add3A_384 : vector<16xi32>
    %mul3A_386 = arith.constant 1000 : i32
    %mul3A_387 = vector.broadcast %mul3A_386 : i32 to vector<16xi32>
    %mul3A_388 = arith.muli %add3A_385, %mul3A_387 : vector<16xi32>
    %add3A_389 = arith.addi %mul3A_388, %get3A_380 : vector<16xi32>
    %swap3A_390 = arith.constant 2 : i32
    %swap3A_391 = arith.index_cast %swap3A_390 : i32 to index
    %swap3A_392 = arith.constant 80 : index
    %swap3A_393 = tpu.vector_load %arg6[%swap3A_391, %swap3A_392] {strides = array<i32>} : memref<4x128xi32, #tpu.memory_space<vmem>>, vector<1x16xi32>,
    %swap3A_394 = vector.shape_cast %swap3A_393 : vector<1x16xi32> to vector<16xi32>
    %swap3A_395 = vector.shape_cast %add3A_389 : vector<16xi32> to vector<1x16xi32>
    tpu.vector_store %arg6[%swap3A_391, %swap3A_392], %swap3A_395 {strides = array<i32>} : memref<4x128xi32, #tpu.memory_space<vmem>>, vector<1x16xi32>,
    %get3A_396 = arith.constant 352 : index
    %get3A_397 = tpu.vector_load %arg5[%get3A_396] {strides = array<i32>} : memref<512xi32, #tpu.memory_space<vmem>>, vector<16xi32>,
    %get3A_398 = vector.shape_cast %get3A_397 : vector<16xi32> to vector<16xi32>
    %iota3A_399 = tpu.iota {dimensions = array<i32: 0>} : vector<16xi32>
    %add3A_400 = arith.constant 352 : i32
    %add3A_401 = arith.addi %mul3A_2, %add3A_400 : i32
    %add3A_402 = vector.broadcast %add3A_401 : i32 to vector<16xi32>
    %add3A_403 = arith.addi %iota3A_399, %add3A_402 : vector<16xi32>
    %mul3A_404 = arith.constant 1000 : i32
    %mul3A_405 = vector.broadcast %mul3A_404 : i32 to vector<16xi32>
    %mul3A_406 = arith.muli %add3A_403, %mul3A_405 : vector<16xi32>
    %add3A_407 = arith.addi %mul3A_406, %get3A_398 : vector<16xi32>
    %swap3A_408 = arith.constant 2 : i32
    %swap3A_409 = arith.index_cast %swap3A_408 : i32 to index
    %swap3A_410 = arith.constant 96 : index
    %swap3A_411 = tpu.vector_load %arg6[%swap3A_409, %swap3A_410] {strides = array<i32>} : memref<4x128xi32, #tpu.memory_space<vmem>>, vector<1x16xi32>,
    %swap3A_412 = vector.shape_cast %swap3A_411 : vector<1x16xi32> to vector<16xi32>
    %swap3A_413 = vector.shape_cast %add3A_407 : vector<16xi32> to vector<1x16xi32>
    tpu.vector_store %arg6[%swap3A_409, %swap3A_410], %swap3A_413 {strides = array<i32>} : memref<4x128xi32, #tpu.memory_space<vmem>>, vector<1x16xi32>,
    %get3A_414 = arith.constant 368 : index
    %get3A_415 = tpu.vector_load %arg5[%get3A_414] {strides = array<i32>} : memref<512xi32, #tpu.memory_space<vmem>>, vector<16xi32>,
    %get3A_416 = vector.shape_cast %get3A_415 : vector<16xi32> to vector<16xi32>
    %iota3A_417 = tpu.iota {dimensions = array<i32: 0>} : vector<16xi32>
    %add3A_418 = arith.constant 368 : i32
    %add3A_419 = arith.addi %mul3A_2, %add3A_418 : i32
    %add3A_420 = vector.broadcast %add3A_419 : i32 to vector<16xi32>
    %add3A_421 = arith.addi %iota3A_417, %add3A_420 : vector<16xi32>
    %mul3A_422 = arith.constant 1000 : i32
    %mul3A_423 = vector.broadcast %mul3A_422 : i32 to vector<16xi32>
    %mul3A_424 = arith.muli %add3A_421, %mul3A_423 : vector<16xi32>
    %add3A_425 = arith.addi %mul3A_424, %get3A_416 : vector<16xi32>
    %swap3A_426 = arith.constant 2 : i32
    %swap3A_427 = arith.index_cast %swap3A_426 : i32 to index
    %swap3A_428 = arith.constant 112 : index
    %swap3A_429 = tpu.vector_load %arg6[%swap3A_427, %swap3A_428] {strides = array<i32>} : memref<4x128xi32, #tpu.memory_space<vmem>>, vector<1x16xi32>,
    %swap3A_430 = vector.shape_cast %swap3A_429 : vector<1x16xi32> to vector<16xi32>
    %swap3A_431 = vector.shape_cast %add3A_425 : vector<16xi32> to vector<1x16xi32>
    tpu.vector_store %arg6[%swap3A_427, %swap3A_428], %swap3A_431 {strides = array<i32>} : memref<4x128xi32, #tpu.memory_space<vmem>>, vector<1x16xi32>,
    %get3A_432 = arith.constant 384 : index
    %get3A_433 = tpu.vector_load %arg5[%get3A_432] {strides = array<i32>} : memref<512xi32, #tpu.memory_space<vmem>>, vector<16xi32>,
    %get3A_434 = vector.shape_cast %get3A_433 : vector<16xi32> to vector<16xi32>
    %iota3A_435 = tpu.iota {dimensions = array<i32: 0>} : vector<16xi32>
    %add3A_436 = arith.constant 384 : i32
    %add3A_437 = arith.addi %mul3A_2, %add3A_436 : i32
    %add3A_438 = vector.broadcast %add3A_437 : i32 to vector<16xi32>
    %add3A_439 = arith.addi %iota3A_435, %add3A_438 : vector<16xi32>
    %mul3A_440 = arith.constant 1000 : i32
    %mul3A_441 = vector.broadcast %mul3A_440 : i32 to vector<16xi32>
    %mul3A_442 = arith.muli %add3A_439, %mul3A_441 : vector<16xi32>
    %add3A_443 = arith.addi %mul3A_442, %get3A_434 : vector<16xi32>
    %swap3A_444 = arith.constant 3 : i32
    %swap3A_445 = arith.index_cast %swap3A_444 : i32 to index
    %swap3A_446 = arith.constant 0 : index
    %swap3A_447 = tpu.vector_load %arg6[%swap3A_445, %swap3A_446] {strides = array<i32>} : memref<4x128xi32, #tpu.memory_space<vmem>>, vector<1x16xi32>,
    %swap3A_448 = vector.shape_cast %swap3A_447 : vector<1x16xi32> to vector<16xi32>
    %swap3A_449 = vector.shape_cast %add3A_443 : vector<16xi32> to vector<1x16xi32>
    tpu.vector_store %arg6[%swap3A_445, %swap3A_446], %swap3A_449 {strides = array<i32>} : memref<4x128xi32, #tpu.memory_space<vmem>>, vector<1x16xi32>,
    %get3A_450 = arith.constant 400 : index
    %get3A_451 = tpu.vector_load %arg5[%get3A_450] {strides = array<i32>} : memref<512xi32, #tpu.memory_space<vmem>>, vector<16xi32>,
    %get3A_452 = vector.shape_cast %get3A_451 : vector<16xi32> to vector<16xi32>
    %iota3A_453 = tpu.iota {dimensions = array<i32: 0>} : vector<16xi32>
    %add3A_454 = arith.constant 400 : i32
    %add3A_455 = arith.addi %mul3A_2, %add3A_454 : i32
    %add3A_456 = vector.broadcast %add3A_455 : i32 to vector<16xi32>
    %add3A_457 = arith.addi %iota3A_453, %add3A_456 : vector<16xi32>
    %mul3A_458 = arith.constant 1000 : i32
    %mul3A_459 = vector.broadcast %mul3A_458 : i32 to vector<16xi32>
    %mul3A_460 = arith.muli %add3A_457, %mul3A_459 : vector<16xi32>
    %add3A_461 = arith.addi %mul3A_460, %get3A_452 : vector<16xi32>
    %swap3A_462 = arith.constant 3 : i32
    %swap3A_463 = arith.index_cast %swap3A_462 : i32 to index
    %swap3A_464 = arith.constant 16 : index
    %swap3A_465 = tpu.vector_load %arg6[%swap3A_463, %swap3A_464] {strides = array<i32>} : memref<4x128xi32, #tpu.memory_space<vmem>>, vector<1x16xi32>,
    %swap3A_466 = vector.shape_cast %swap3A_465 : vector<1x16xi32> to vector<16xi32>
    %swap3A_467 = vector.shape_cast %add3A_461 : vector<16xi32> to vector<1x16xi32>
    tpu.vector_store %arg6[%swap3A_463, %swap3A_464], %swap3A_467 {strides = array<i32>} : memref<4x128xi32, #tpu.memory_space<vmem>>, vector<1x16xi32>,
    %get3A_468 = arith.constant 416 : index
    %get3A_469 = tpu.vector_load %arg5[%get3A_468] {strides = array<i32>} : memref<512xi32, #tpu.memory_space<vmem>>, vector<16xi32>,
    %get3A_470 = vector.shape_cast %get3A_469 : vector<16xi32> to vector<16xi32>
    %iota3A_471 = tpu.iota {dimensions = array<i32: 0>} : vector<16xi32>
    %add3A_472 = arith.constant 416 : i32
    %add3A_473 = arith.addi %mul3A_2, %add3A_472 : i32
    %add3A_474 = vector.broadcast %add3A_473 : i32 to vector<16xi32>
    %add3A_475 = arith.addi %iota3A_471, %add3A_474 : vector<16xi32>
    %mul3A_476 = arith.constant 1000 : i32
    %mul3A_477 = vector.broadcast %mul3A_476 : i32 to vector<16xi32>
    %mul3A_478 = arith.muli %add3A_475, %mul3A_477 : vector<16xi32>
    %add3A_479 = arith.addi %mul3A_478, %get3A_470 : vector<16xi32>
    %swap3A_480 = arith.constant 3 : i32
    %swap3A_481 = arith.index_cast %swap3A_480 : i32 to index
    %swap3A_482 = arith.constant 32 : index
    %swap3A_483 = tpu.vector_load %arg6[%swap3A_481, %swap3A_482] {strides = array<i32>} : memref<4x128xi32, #tpu.memory_space<vmem>>, vector<1x16xi32>,
    %swap3A_484 = vector.shape_cast %swap3A_483 : vector<1x16xi32> to vector<16xi32>
    %swap3A_485 = vector.shape_cast %add3A_479 : vector<16xi32> to vector<1x16xi32>
    tpu.vector_store %arg6[%swap3A_481, %swap3A_482], %swap3A_485 {strides = array<i32>} : memref<4x128xi32, #tpu.memory_space<vmem>>, vector<1x16xi32>,
    %get3A_486 = arith.constant 432 : index
    %get3A_487 = tpu.vector_load %arg5[%get3A_486] {strides = array<i32>} : memref<512xi32, #tpu.memory_space<vmem>>, vector<16xi32>,
    %get3A_488 = vector.shape_cast %get3A_487 : vector<16xi32> to vector<16xi32>
    %iota3A_489 = tpu.iota {dimensions = array<i32: 0>} : vector<16xi32>
    %add3A_490 = arith.constant 432 : i32
    %add3A_491 = arith.addi %mul3A_2, %add3A_490 : i32
    %add3A_492 = vector.broadcast %add3A_491 : i32 to vector<16xi32>
    %add3A_493 = arith.addi %iota3A_489, %add3A_492 : vector<16xi32>
    %mul3A_494 = arith.constant 1000 : i32
    %mul3A_495 = vector.broadcast %mul3A_494 : i32 to vector<16xi32>
    %mul3A_496 = arith.muli %add3A_493, %mul3A_495 : vector<16xi32>
    %add3A_497 = arith.addi %mul3A_496, %get3A_488 : vector<16xi32>
    %swap3A_498 = arith.constant 3 : i32
    %swap3A_499 = arith.index_cast %swap3A_498 : i32 to index
    %swap3A_500 = arith.constant 48 : index
    %swap3A_501 = tpu.vector_load %arg6[%swap3A_499, %swap3A_500] {strides = array<i32>} : memref<4x128xi32, #tpu.memory_space<vmem>>, vector<1x16xi32>,
    %swap3A_502 = vector.shape_cast %swap3A_501 : vector<1x16xi32> to vector<16xi32>
    %swap3A_503 = vector.shape_cast %add3A_497 : vector<16xi32> to vector<1x16xi32>
    tpu.vector_store %arg6[%swap3A_499, %swap3A_500], %swap3A_503 {strides = array<i32>} : memref<4x128xi32, #tpu.memory_space<vmem>>, vector<1x16xi32>,
    %get3A_504 = arith.constant 448 : index
    %get3A_505 = tpu.vector_load %arg5[%get3A_504] {strides = array<i32>} : memref<512xi32, #tpu.memory_space<vmem>>, vector<16xi32>,
    %get3A_506 = vector.shape_cast %get3A_505 : vector<16xi32> to vector<16xi32>
    %iota3A_507 = tpu.iota {dimensions = array<i32: 0>} : vector<16xi32>
    %add3A_508 = arith.constant 448 : i32
    %add3A_509 = arith.addi %mul3A_2, %add3A_508 : i32
    %add3A_510 = vector.broadcast %add3A_509 : i32 to vector<16xi32>
    %add3A_511 = arith.addi %iota3A_507, %add3A_510 : vector<16xi32>
    %mul3A_512 = arith.constant 1000 : i32
    %mul3A_513 = vector.broadcast %mul3A_512 : i32 to vector<16xi32>
    %mul3A_514 = arith.muli %add3A_511, %mul3A_513 : vector<16xi32>
    %add3A_515 = arith.addi %mul3A_514, %get3A_506 : vector<16xi32>
    %swap3A_516 = arith.constant 3 : i32
    %swap3A_517 = arith.index_cast %swap3A_516 : i32 to index
    %swap3A_518 = arith.constant 64 : index
    %swap3A_519 = tpu.vector_load %arg6[%swap3A_517, %swap3A_518] {strides = array<i32>} : memref<4x128xi32, #tpu.memory_space<vmem>>, vector<1x16xi32>,
    %swap3A_520 = vector.shape_cast %swap3A_519 : vector<1x16xi32> to vector<16xi32>
    %swap3A_521 = vector.shape_cast %add3A_515 : vector<16xi32> to vector<1x16xi32>
    tpu.vector_store %arg6[%swap3A_517, %swap3A_518], %swap3A_521 {strides = array<i32>} : memref<4x128xi32, #tpu.memory_space<vmem>>, vector<1x16xi32>,
    %get3A_522 = arith.constant 464 : index
    %get3A_523 = tpu.vector_load %arg5[%get3A_522] {strides = array<i32>} : memref<512xi32, #tpu.memory_space<vmem>>, vector<16xi32>,
    %get3A_524 = vector.shape_cast %get3A_523 : vector<16xi32> to vector<16xi32>
    %iota3A_525 = tpu.iota {dimensions = array<i32: 0>} : vector<16xi32>
    %add3A_526 = arith.constant 464 : i32
    %add3A_527 = arith.addi %mul3A_2, %add3A_526 : i32
    %add3A_528 = vector.broadcast %add3A_527 : i32 to vector<16xi32>
    %add3A_529 = arith.addi %iota3A_525, %add3A_528 : vector<16xi32>
    %mul3A_530 = arith.constant 1000 : i32
    %mul3A_531 = vector.broadcast %mul3A_530 : i32 to vector<16xi32>
    %mul3A_532 = arith.muli %add3A_529, %mul3A_531 : vector<16xi32>
    %add3A_533 = arith.addi %mul3A_532, %get3A_524 : vector<16xi32>
    %swap3A_534 = arith.constant 3 : i32
    %swap3A_535 = arith.index_cast %swap3A_534 : i32 to index
    %swap3A_536 = arith.constant 80 : index
    %swap3A_537 = tpu.vector_load %arg6[%swap3A_535, %swap3A_536] {strides = array<i32>} : memref<4x128xi32, #tpu.memory_space<vmem>>, vector<1x16xi32>,
    %swap3A_538 = vector.shape_cast %swap3A_537 : vector<1x16xi32> to vector<16xi32>
    %swap3A_539 = vector.shape_cast %add3A_533 : vector<16xi32> to vector<1x16xi32>
    tpu.vector_store %arg6[%swap3A_535, %swap3A_536], %swap3A_539 {strides = array<i32>} : memref<4x128xi32, #tpu.memory_space<vmem>>, vector<1x16xi32>,
    %get3A_540 = arith.constant 480 : index
    %get3A_541 = tpu.vector_load %arg5[%get3A_540] {strides = array<i32>} : memref<512xi32, #tpu.memory_space<vmem>>, vector<16xi32>,
    %get3A_542 = vector.shape_cast %get3A_541 : vector<16xi32> to vector<16xi32>
    %iota3A_543 = tpu.iota {dimensions = array<i32: 0>} : vector<16xi32>
    %add3A_544 = arith.constant 480 : i32
    %add3A_545 = arith.addi %mul3A_2, %add3A_544 : i32
    %add3A_546 = vector.broadcast %add3A_545 : i32 to vector<16xi32>
    %add3A_547 = arith.addi %iota3A_543, %add3A_546 : vector<16xi32>
    %mul3A_548 = arith.constant 1000 : i32
    %mul3A_549 = vector.broadcast %mul3A_548 : i32 to vector<16xi32>
    %mul3A_550 = arith.muli %add3A_547, %mul3A_549 : vector<16xi32>
    %add3A_551 = arith.addi %mul3A_550, %get3A_542 : vector<16xi32>
    %swap3A_552 = arith.constant 3 : i32
    %swap3A_553 = arith.index_cast %swap3A_552 : i32 to index
    %swap3A_554 = arith.constant 96 : index
    %swap3A_555 = tpu.vector_load %arg6[%swap3A_553, %swap3A_554] {strides = array<i32>} : memref<4x128xi32, #tpu.memory_space<vmem>>, vector<1x16xi32>,
    %swap3A_556 = vector.shape_cast %swap3A_555 : vector<1x16xi32> to vector<16xi32>
    %swap3A_557 = vector.shape_cast %add3A_551 : vector<16xi32> to vector<1x16xi32>
    tpu.vector_store %arg6[%swap3A_553, %swap3A_554], %swap3A_557 {strides = array<i32>} : memref<4x128xi32, #tpu.memory_space<vmem>>, vector<1x16xi32>,
    %get3A_558 = arith.constant 496 : index
    %get3A_559 = tpu.vector_load %arg5[%get3A_558] {strides = array<i32>} : memref<512xi32, #tpu.memory_space<vmem>>, vector<16xi32>,
    %get3A_560 = vector.shape_cast %get3A_559 : vector<16xi32> to vector<16xi32>
    %iota3A_561 = tpu.iota {dimensions = array<i32: 0>} : vector<16xi32>
    %add3A_562 = arith.constant 496 : i32
    %add3A_563 = arith.addi %mul3A_2, %add3A_562 : i32
    %add3A_564 = vector.broadcast %add3A_563 : i32 to vector<16xi32>
    %add3A_565 = arith.addi %iota3A_561, %add3A_564 : vector<16xi32>
    %mul3A_566 = arith.constant 1000 : i32
    %mul3A_567 = vector.broadcast %mul3A_566 : i32 to vector<16xi32>
    %mul3A_568 = arith.muli %add3A_565, %mul3A_567 : vector<16xi32>
    %add3A_569 = arith.addi %mul3A_568, %get3A_560 : vector<16xi32>
    %swap3A_570 = arith.constant 3 : i32
    %swap3A_571 = arith.index_cast %swap3A_570 : i32 to index
    %swap3A_572 = arith.constant 112 : index
    %swap3A_573 = tpu.vector_load %arg6[%swap3A_571, %swap3A_572] {strides = array<i32>} : memref<4x128xi32, #tpu.memory_space<vmem>>, vector<1x16xi32>,
    %swap3A_574 = vector.shape_cast %swap3A_573 : vector<1x16xi32> to vector<16xi32>
    %swap3A_575 = vector.shape_cast %add3A_569 : vector<16xi32> to vector<1x16xi32>
    tpu.vector_store %arg6[%swap3A_571, %swap3A_572], %swap3A_575 {strides = array<i32>} : memref<4x128xi32, #tpu.memory_space<vmem>>, vector<1x16xi32>,
    %dma_start3A = arith.constant 0 : i32
    %dma_start3A_576 = arith.constant 0 : i32
    %dma_start3A_577 = arith.constant 0 : i32
    %dma_start3A_578 = tpu.memref_slice %arg7[%dma_start3A_576, %dma_start3A_577] : memref<4x128xf32, #tpu.memory_space<vmem>> -> memref<1x128xf32, #tpu.memory_space<vmem>>
    %dma_start3A_579 = tpu.memref_squeeze %dma_start3A_578 : memref<1x128xf32, #tpu.memory_space<vmem>> -> memref<128xf32, #tpu.memory_space<vmem>>
    %dma_start3A_580 = arith.constant 0 : i32
    %dma_start3A_581 = tpu.memref_slice %arg6[%dma_start3A, %dma_start3A_580] : memref<4x128xi32, #tpu.memory_space<vmem>> -> memref<1x128xi32, #tpu.memory_space<vmem>>
    %dma_start3A_582 = tpu.memref_squeeze %dma_start3A_581 : memref<1x128xi32, #tpu.memory_space<vmem>> -> memref<128xi32, #tpu.memory_space<vmem>>
    %dma_start3A_583 = arith.constant 0 : i32
    %dma_start3A_584 = tpu.memref_slice %arg2[%dma_start3A_583] : memref<16384000xf32, #tpu.memory_space<hbm>> -> memref<16384000xf32, #tpu.memory_space<hbm>>
    tpu.enqueue_indirect_dma source(%dma_start3A_584 : memref<16384000xf32, #tpu.memory_space<hbm>>) target(%dma_start3A_579 : memref<128xf32, #tpu.memory_space<vmem>>) offsets(%dma_start3A_582 : memref<128xi32, #tpu.memory_space<vmem>>) semaphore(%arg9 : memref<!tpu.dma_semaphore, #tpu.memory_space<semaphore_mem>>)
    %dma_start3A_585 = arith.constant 1 : i32
    %dma_start3A_586 = arith.constant 1 : i32
    %dma_start3A_587 = arith.constant 0 : i32
    %dma_start3A_588 = tpu.memref_slice %arg7[%dma_start3A_586, %dma_start3A_587] : memref<4x128xf32, #tpu.memory_space<vmem>> -> memref<1x128xf32, #tpu.memory_space<vmem>>
    %dma_start3A_589 = tpu.memref_squeeze %dma_start3A_588 : memref<1x128xf32, #tpu.memory_space<vmem>> -> memref<128xf32, #tpu.memory_space<vmem>>
    %dma_start3A_590 = arith.constant 0 : i32
    %dma_start3A_591 = tpu.memref_slice %arg6[%dma_start3A_585, %dma_start3A_590] : memref<4x128xi32, #tpu.memory_space<vmem>> -> memref<1x128xi32, #tpu.memory_space<vmem>>
    %dma_start3A_592 = tpu.memref_squeeze %dma_start3A_591 : memref<1x128xi32, #tpu.memory_space<vmem>> -> memref<128xi32, #tpu.memory_space<vmem>>
    %dma_start3A_593 = arith.constant 0 : i32
    %dma_start3A_594 = tpu.memref_slice %arg2[%dma_start3A_593] : memref<16384000xf32, #tpu.memory_space<hbm>> -> memref<16384000xf32, #tpu.memory_space<hbm>>
    tpu.enqueue_indirect_dma source(%dma_start3A_594 : memref<16384000xf32, #tpu.memory_space<hbm>>) target(%dma_start3A_589 : memref<128xf32, #tpu.memory_space<vmem>>) offsets(%dma_start3A_592 : memref<128xi32, #tpu.memory_space<vmem>>) semaphore(%arg9 : memref<!tpu.dma_semaphore, #tpu.memory_space<semaphore_mem>>)
    %dma_start3A_595 = arith.constant 2 : i32
    %dma_start3A_596 = arith.constant 2 : i32
    %dma_start3A_597 = arith.constant 0 : i32
    %dma_start3A_598 = tpu.memref_slice %arg7[%dma_start3A_596, %dma_start3A_597] : memref<4x128xf32, #tpu.memory_space<vmem>> -> memref<1x128xf32, #tpu.memory_space<vmem>>
    %dma_start3A_599 = tpu.memref_squeeze %dma_start3A_598 : memref<1x128xf32, #tpu.memory_space<vmem>> -> memref<128xf32, #tpu.memory_space<vmem>>
    %dma_start3A_600 = arith.constant 0 : i32
    %dma_start3A_601 = tpu.memref_slice %arg6[%dma_start3A_595, %dma_start3A_600] : memref<4x128xi32, #tpu.memory_space<vmem>> -> memref<1x128xi32, #tpu.memory_space<vmem>>
    %dma_start3A_602 = tpu.memref_squeeze %dma_start3A_601 : memref<1x128xi32, #tpu.memory_space<vmem>> -> memref<128xi32, #tpu.memory_space<vmem>>
    %dma_start3A_603 = arith.constant 0 : i32
    %dma_start3A_604 = tpu.memref_slice %arg2[%dma_start3A_603] : memref<16384000xf32, #tpu.memory_space<hbm>> -> memref<16384000xf32, #tpu.memory_space<hbm>>
    tpu.enqueue_indirect_dma source(%dma_start3A_604 : memref<16384000xf32, #tpu.memory_space<hbm>>) target(%dma_start3A_599 : memref<128xf32, #tpu.memory_space<vmem>>) offsets(%dma_start3A_602 : memref<128xi32, #tpu.memory_space<vmem>>) semaphore(%arg9 : memref<!tpu.dma_semaphore, #tpu.memory_space<semaphore_mem>>)
    %dma_start3A_605 = arith.constant 3 : i32
    %dma_start3A_606 = arith.constant 3 : i32
    %dma_start3A_607 = arith.constant 0 : i32
    %dma_start3A_608 = tpu.memref_slice %arg7[%dma_start3A_606, %dma_start3A_607] : memref<4x128xf32, #tpu.memory_space<vmem>> -> memref<1x128xf32, #tpu.memory_space<vmem>>
    %dma_start3A_609 = tpu.memref_squeeze %dma_start3A_608 : memref<1x128xf32, #tpu.memory_space<vmem>> -> memref<128xf32, #tpu.memory_space<vmem>>
    %dma_start3A_610 = arith.constant 0 : i32
    %dma_start3A_611 = tpu.memref_slice %arg6[%dma_start3A_605, %dma_start3A_610] : memref<4x128xi32, #tpu.memory_space<vmem>> -> memref<1x128xi32, #tpu.memory_space<vmem>>
    %dma_start3A_612 = tpu.memref_squeeze %dma_start3A_611 : memref<1x128xi32, #tpu.memory_space<vmem>> -> memref<128xi32, #tpu.memory_space<vmem>>
    %dma_start3A_613 = arith.constant 0 : i32
    %dma_start3A_614 = tpu.memref_slice %arg2[%dma_start3A_613] : memref<16384000xf32, #tpu.memory_space<hbm>> -> memref<16384000xf32, #tpu.memory_space<hbm>>
    tpu.enqueue_indirect_dma source(%dma_start3A_614 : memref<16384000xf32, #tpu.memory_space<hbm>>) target(%dma_start3A_609 : memref<128xf32, #tpu.memory_space<vmem>>) offsets(%dma_start3A_612 : memref<128xi32, #tpu.memory_space<vmem>>) semaphore(%arg9 : memref<!tpu.dma_semaphore, #tpu.memory_space<semaphore_mem>>)
    %dma_wait3A = arith.constant 0 : i32
    %dma_wait3A_615 = arith.constant 0 : i32
    %dma_wait3A_616 = arith.constant 0 : i32
    %dma_wait3A_617 = tpu.memref_slice %arg7[%dma_wait3A_615, %dma_wait3A_616] : memref<4x128xf32, #tpu.memory_space<vmem>> -> memref<1x128xf32, #tpu.memory_space<vmem>>
    %dma_wait3A_618 = tpu.memref_squeeze %dma_wait3A_617 : memref<1x128xf32, #tpu.memory_space<vmem>> -> memref<128xf32, #tpu.memory_space<vmem>>
    %dma_wait3A_619 = arith.constant 0 : i32
    %dma_wait3A_620 = tpu.memref_slice %arg6[%dma_wait3A, %dma_wait3A_619] : memref<4x128xi32, #tpu.memory_space<vmem>> -> memref<1x128xi32, #tpu.memory_space<vmem>>
    %dma_wait3A_621 = tpu.memref_squeeze %dma_wait3A_620 : memref<1x128xi32, #tpu.memory_space<vmem>> -> memref<128xi32, #tpu.memory_space<vmem>>
    %dma_wait3A_622 = arith.constant 0 : i32
    %dma_wait3A_623 = tpu.memref_slice %arg2[%dma_wait3A_622] : memref<16384000xf32, #tpu.memory_space<hbm>> -> memref<16384000xf32, #tpu.memory_space<hbm>>
    tpu.wait_indirect_dma semaphore(%arg9 : memref<!tpu.dma_semaphore, #tpu.memory_space<semaphore_mem>>) src(%dma_wait3A_623 : memref<16384000xf32, #tpu.memory_space<hbm>>) dst(%dma_wait3A_618 : memref<128xf32, #tpu.memory_space<vmem>>)
    %dma_wait3A_624 = arith.constant 1 : i32
    %dma_wait3A_625 = arith.constant 1 : i32
    %dma_wait3A_626 = arith.constant 0 : i32
    %dma_wait3A_627 = tpu.memref_slice %arg7[%dma_wait3A_625, %dma_wait3A_626] : memref<4x128xf32, #tpu.memory_space<vmem>> -> memref<1x128xf32, #tpu.memory_space<vmem>>
    %dma_wait3A_628 = tpu.memref_squeeze %dma_wait3A_627 : memref<1x128xf32, #tpu.memory_space<vmem>> -> memref<128xf32, #tpu.memory_space<vmem>>
    %dma_wait3A_629 = arith.constant 0 : i32
    %dma_wait3A_630 = tpu.memref_slice %arg6[%dma_wait3A_624, %dma_wait3A_629] : memref<4x128xi32, #tpu.memory_space<vmem>> -> memref<1x128xi32, #tpu.memory_space<vmem>>
    %dma_wait3A_631 = tpu.memref_squeeze %dma_wait3A_630 : memref<1x128xi32, #tpu.memory_space<vmem>> -> memref<128xi32, #tpu.memory_space<vmem>>
    %dma_wait3A_632 = arith.constant 0 : i32
    %dma_wait3A_633 = tpu.memref_slice %arg2[%dma_wait3A_632] : memref<16384000xf32, #tpu.memory_space<hbm>> -> memref<16384000xf32, #tpu.memory_space<hbm>>
    tpu.wait_indirect_dma semaphore(%arg9 : memref<!tpu.dma_semaphore, #tpu.memory_space<semaphore_mem>>) src(%dma_wait3A_633 : memref<16384000xf32, #tpu.memory_space<hbm>>) dst(%dma_wait3A_628 : memref<128xf32, #tpu.memory_space<vmem>>)
    %dma_wait3A_634 = arith.constant 2 : i32
    %dma_wait3A_635 = arith.constant 2 : i32
    %dma_wait3A_636 = arith.constant 0 : i32
    %dma_wait3A_637 = tpu.memref_slice %arg7[%dma_wait3A_635, %dma_wait3A_636] : memref<4x128xf32, #tpu.memory_space<vmem>> -> memref<1x128xf32, #tpu.memory_space<vmem>>
    %dma_wait3A_638 = tpu.memref_squeeze %dma_wait3A_637 : memref<1x128xf32, #tpu.memory_space<vmem>> -> memref<128xf32, #tpu.memory_space<vmem>>
    %dma_wait3A_639 = arith.constant 0 : i32
    %dma_wait3A_640 = tpu.memref_slice %arg6[%dma_wait3A_634, %dma_wait3A_639] : memref<4x128xi32, #tpu.memory_space<vmem>> -> memref<1x128xi32, #tpu.memory_space<vmem>>
    %dma_wait3A_641 = tpu.memref_squeeze %dma_wait3A_640 : memref<1x128xi32, #tpu.memory_space<vmem>> -> memref<128xi32, #tpu.memory_space<vmem>>
    %dma_wait3A_642 = arith.constant 0 : i32
    %dma_wait3A_643 = tpu.memref_slice %arg2[%dma_wait3A_642] : memref<16384000xf32, #tpu.memory_space<hbm>> -> memref<16384000xf32, #tpu.memory_space<hbm>>
    tpu.wait_indirect_dma semaphore(%arg9 : memref<!tpu.dma_semaphore, #tpu.memory_space<semaphore_mem>>) src(%dma_wait3A_643 : memref<16384000xf32, #tpu.memory_space<hbm>>) dst(%dma_wait3A_638 : memref<128xf32, #tpu.memory_space<vmem>>)
    %dma_wait3A_644 = arith.constant 3 : i32
    %dma_wait3A_645 = arith.constant 3 : i32
    %dma_wait3A_646 = arith.constant 0 : i32
    %dma_wait3A_647 = tpu.memref_slice %arg7[%dma_wait3A_645, %dma_wait3A_646] : memref<4x128xf32, #tpu.memory_space<vmem>> -> memref<1x128xf32, #tpu.memory_space<vmem>>
    %dma_wait3A_648 = tpu.memref_squeeze %dma_wait3A_647 : memref<1x128xf32, #tpu.memory_space<vmem>> -> memref<128xf32, #tpu.memory_space<vmem>>
    %dma_wait3A_649 = arith.constant 0 : i32
    %dma_wait3A_650 = tpu.memref_slice %arg6[%dma_wait3A_644, %dma_wait3A_649] : memref<4x128xi32, #tpu.memory_space<vmem>> -> memref<1x128xi32, #tpu.memory_space<vmem>>
    %dma_wait3A_651 = tpu.memref_squeeze %dma_wait3A_650 : memref<1x128xi32, #tpu.memory_space<vmem>> -> memref<128xi32, #tpu.memory_space<vmem>>
    %dma_wait3A_652 = arith.constant 0 : i32
    %dma_wait3A_653 = tpu.memref_slice %arg2[%dma_wait3A_652] : memref<16384000xf32, #tpu.memory_space<hbm>> -> memref<16384000xf32, #tpu.memory_space<hbm>>
    tpu.wait_indirect_dma semaphore(%arg9 : memref<!tpu.dma_semaphore, #tpu.memory_space<semaphore_mem>>) src(%dma_wait3A_653 : memref<16384000xf32, #tpu.memory_space<hbm>>) dst(%dma_wait3A_648 : memref<128xf32, #tpu.memory_space<vmem>>)
    %broadcast_in_dim3A = arith.constant 0.000000e+00 : f32
    %broadcast_in_dim3A_654 = vector.broadcast %broadcast_in_dim3A : f32 to vector<16xf32>
    %get3A_655 = arith.constant 0 : i32
    %get3A_656 = arith.index_cast %get3A_655 : i32 to index
    %get3A_657 = arith.constant 0 : index
    %get3A_658 = tpu.vector_load %arg7[%get3A_656, %get3A_657] {strides = array<i32>} : memref<4x128xf32, #tpu.memory_space<vmem>>, vector<1x16xf32>,
    %get3A_659 = vector.shape_cast %get3A_658 : vector<1x16xf32> to vector<16xf32>
    %add3A_660 = arith.addf %broadcast_in_dim3A_654, %get3A_659 : vector<16xf32>
    %get3A_661 = arith.constant 0 : i32
    %get3A_662 = arith.index_cast %get3A_661 : i32 to index
    %get3A_663 = arith.constant 16 : index
    %get3A_664 = tpu.vector_load %arg7[%get3A_662, %get3A_663] {strides = array<i32>} : memref<4x128xf32, #tpu.memory_space<vmem>>, vector<1x16xf32>,
    %get3A_665 = vector.shape_cast %get3A_664 : vector<1x16xf32> to vector<16xf32>
    %add3A_666 = arith.addf %add3A_660, %get3A_665 : vector<16xf32>
    %get3A_667 = arith.constant 0 : i32
    %get3A_668 = arith.index_cast %get3A_667 : i32 to index
    %get3A_669 = arith.constant 32 : index
    %get3A_670 = tpu.vector_load %arg7[%get3A_668, %get3A_669] {strides = array<i32>} : memref<4x128xf32, #tpu.memory_space<vmem>>, vector<1x16xf32>,
    %get3A_671 = vector.shape_cast %get3A_670 : vector<1x16xf32> to vector<16xf32>
    %add3A_672 = arith.addf %add3A_666, %get3A_671 : vector<16xf32>
    %get3A_673 = arith.constant 0 : i32
    %get3A_674 = arith.index_cast %get3A_673 : i32 to index
    %get3A_675 = arith.constant 48 : index
    %get3A_676 = tpu.vector_load %arg7[%get3A_674, %get3A_675] {strides = array<i32>} : memref<4x128xf32, #tpu.memory_space<vmem>>, vector<1x16xf32>,
    %get3A_677 = vector.shape_cast %get3A_676 : vector<1x16xf32> to vector<16xf32>
    %add3A_678 = arith.addf %add3A_672, %get3A_677 : vector<16xf32>
    %get3A_679 = arith.constant 0 : i32
    %get3A_680 = arith.index_cast %get3A_679 : i32 to index
    %get3A_681 = arith.constant 64 : index
    %get3A_682 = tpu.vector_load %arg7[%get3A_680, %get3A_681] {strides = array<i32>} : memref<4x128xf32, #tpu.memory_space<vmem>>, vector<1x16xf32>,
    %get3A_683 = vector.shape_cast %get3A_682 : vector<1x16xf32> to vector<16xf32>
    %add3A_684 = arith.addf %add3A_678, %get3A_683 : vector<16xf32>
    %get3A_685 = arith.constant 0 : i32
    %get3A_686 = arith.index_cast %get3A_685 : i32 to index
    %get3A_687 = arith.constant 80 : index
    %get3A_688 = tpu.vector_load %arg7[%get3A_686, %get3A_687] {strides = array<i32>} : memref<4x128xf32, #tpu.memory_space<vmem>>, vector<1x16xf32>,
    %get3A_689 = vector.shape_cast %get3A_688 : vector<1x16xf32> to vector<16xf32>
    %add3A_690 = arith.addf %add3A_684, %get3A_689 : vector<16xf32>
    %get3A_691 = arith.constant 0 : i32
    %get3A_692 = arith.index_cast %get3A_691 : i32 to index
    %get3A_693 = arith.constant 96 : index
    %get3A_694 = tpu.vector_load %arg7[%get3A_692, %get3A_693] {strides = array<i32>} : memref<4x128xf32, #tpu.memory_space<vmem>>, vector<1x16xf32>,
    %get3A_695 = vector.shape_cast %get3A_694 : vector<1x16xf32> to vector<16xf32>
    %add3A_696 = arith.addf %add3A_690, %get3A_695 : vector<16xf32>
    %get3A_697 = arith.constant 0 : i32
    %get3A_698 = arith.index_cast %get3A_697 : i32 to index
    %get3A_699 = arith.constant 112 : index
    %get3A_700 = tpu.vector_load %arg7[%get3A_698, %get3A_699] {strides = array<i32>} : memref<4x128xf32, #tpu.memory_space<vmem>>, vector<1x16xf32>,
    %get3A_701 = vector.shape_cast %get3A_700 : vector<1x16xf32> to vector<16xf32>
    %add3A_702 = arith.addf %add3A_696, %get3A_701 : vector<16xf32>
    %get3A_703 = arith.constant 1 : i32
    %get3A_704 = arith.index_cast %get3A_703 : i32 to index
    %get3A_705 = arith.constant 0 : index
    %get3A_706 = tpu.vector_load %arg7[%get3A_704, %get3A_705] {strides = array<i32>} : memref<4x128xf32, #tpu.memory_space<vmem>>, vector<1x16xf32>,
    %get3A_707 = vector.shape_cast %get3A_706 : vector<1x16xf32> to vector<16xf32>
    %add3A_708 = arith.addf %add3A_702, %get3A_707 : vector<16xf32>
    %get3A_709 = arith.constant 1 : i32
    %get3A_710 = arith.index_cast %get3A_709 : i32 to index
    %get3A_711 = arith.constant 16 : index
    %get3A_712 = tpu.vector_load %arg7[%get3A_710, %get3A_711] {strides = array<i32>} : memref<4x128xf32, #tpu.memory_space<vmem>>, vector<1x16xf32>,
    %get3A_713 = vector.shape_cast %get3A_712 : vector<1x16xf32> to vector<16xf32>
    %add3A_714 = arith.addf %add3A_708, %get3A_713 : vector<16xf32>
    %get3A_715 = arith.constant 1 : i32
    %get3A_716 = arith.index_cast %get3A_715 : i32 to index
    %get3A_717 = arith.constant 32 : index
    %get3A_718 = tpu.vector_load %arg7[%get3A_716, %get3A_717] {strides = array<i32>} : memref<4x128xf32, #tpu.memory_space<vmem>>, vector<1x16xf32>,
    %get3A_719 = vector.shape_cast %get3A_718 : vector<1x16xf32> to vector<16xf32>
    %add3A_720 = arith.addf %add3A_714, %get3A_719 : vector<16xf32>
    %get3A_721 = arith.constant 1 : i32
    %get3A_722 = arith.index_cast %get3A_721 : i32 to index
    %get3A_723 = arith.constant 48 : index
    %get3A_724 = tpu.vector_load %arg7[%get3A_722, %get3A_723] {strides = array<i32>} : memref<4x128xf32, #tpu.memory_space<vmem>>, vector<1x16xf32>,
    %get3A_725 = vector.shape_cast %get3A_724 : vector<1x16xf32> to vector<16xf32>
    %add3A_726 = arith.addf %add3A_720, %get3A_725 : vector<16xf32>
    %get3A_727 = arith.constant 1 : i32
    %get3A_728 = arith.index_cast %get3A_727 : i32 to index
    %get3A_729 = arith.constant 64 : index
    %get3A_730 = tpu.vector_load %arg7[%get3A_728, %get3A_729] {strides = array<i32>} : memref<4x128xf32, #tpu.memory_space<vmem>>, vector<1x16xf32>,
    %get3A_731 = vector.shape_cast %get3A_730 : vector<1x16xf32> to vector<16xf32>
    %add3A_732 = arith.addf %add3A_726, %get3A_731 : vector<16xf32>
    %get3A_733 = arith.constant 1 : i32
    %get3A_734 = arith.index_cast %get3A_733 : i32 to index
    %get3A_735 = arith.constant 80 : index
    %get3A_736 = tpu.vector_load %arg7[%get3A_734, %get3A_735] {strides = array<i32>} : memref<4x128xf32, #tpu.memory_space<vmem>>, vector<1x16xf32>,
    %get3A_737 = vector.shape_cast %get3A_736 : vector<1x16xf32> to vector<16xf32>
    %add3A_738 = arith.addf %add3A_732, %get3A_737 : vector<16xf32>
    %get3A_739 = arith.constant 1 : i32
    %get3A_740 = arith.index_cast %get3A_739 : i32 to index
    %get3A_741 = arith.constant 96 : index
    %get3A_742 = tpu.vector_load %arg7[%get3A_740, %get3A_741] {strides = array<i32>} : memref<4x128xf32, #tpu.memory_space<vmem>>, vector<1x16xf32>,
    %get3A_743 = vector.shape_cast %get3A_742 : vector<1x16xf32> to vector<16xf32>
    %add3A_744 = arith.addf %add3A_738, %get3A_743 : vector<16xf32>
    %get3A_745 = arith.constant 1 : i32
    %get3A_746 = arith.index_cast %get3A_745 : i32 to index
    %get3A_747 = arith.constant 112 : index
    %get3A_748 = tpu.vector_load %arg7[%get3A_746, %get3A_747] {strides = array<i32>} : memref<4x128xf32, #tpu.memory_space<vmem>>, vector<1x16xf32>,
    %get3A_749 = vector.shape_cast %get3A_748 : vector<1x16xf32> to vector<16xf32>
    %add3A_750 = arith.addf %add3A_744, %get3A_749 : vector<16xf32>
    %get3A_751 = arith.constant 2 : i32
    %get3A_752 = arith.index_cast %get3A_751 : i32 to index
    %get3A_753 = arith.constant 0 : index
    %get3A_754 = tpu.vector_load %arg7[%get3A_752, %get3A_753] {strides = array<i32>} : memref<4x128xf32, #tpu.memory_space<vmem>>, vector<1x16xf32>,
    %get3A_755 = vector.shape_cast %get3A_754 : vector<1x16xf32> to vector<16xf32>
    %add3A_756 = arith.addf %add3A_750, %get3A_755 : vector<16xf32>
    %get3A_757 = arith.constant 2 : i32
    %get3A_758 = arith.index_cast %get3A_757 : i32 to index
    %get3A_759 = arith.constant 16 : index
    %get3A_760 = tpu.vector_load %arg7[%get3A_758, %get3A_759] {strides = array<i32>} : memref<4x128xf32, #tpu.memory_space<vmem>>, vector<1x16xf32>,
    %get3A_761 = vector.shape_cast %get3A_760 : vector<1x16xf32> to vector<16xf32>
    %add3A_762 = arith.addf %add3A_756, %get3A_761 : vector<16xf32>
    %get3A_763 = arith.constant 2 : i32
    %get3A_764 = arith.index_cast %get3A_763 : i32 to index
    %get3A_765 = arith.constant 32 : index
    %get3A_766 = tpu.vector_load %arg7[%get3A_764, %get3A_765] {strides = array<i32>} : memref<4x128xf32, #tpu.memory_space<vmem>>, vector<1x16xf32>,
    %get3A_767 = vector.shape_cast %get3A_766 : vector<1x16xf32> to vector<16xf32>
    %add3A_768 = arith.addf %add3A_762, %get3A_767 : vector<16xf32>
    %get3A_769 = arith.constant 2 : i32
    %get3A_770 = arith.index_cast %get3A_769 : i32 to index
    %get3A_771 = arith.constant 48 : index
    %get3A_772 = tpu.vector_load %arg7[%get3A_770, %get3A_771] {strides = array<i32>} : memref<4x128xf32, #tpu.memory_space<vmem>>, vector<1x16xf32>,
    %get3A_773 = vector.shape_cast %get3A_772 : vector<1x16xf32> to vector<16xf32>
    %add3A_774 = arith.addf %add3A_768, %get3A_773 : vector<16xf32>
    %get3A_775 = arith.constant 2 : i32
    %get3A_776 = arith.index_cast %get3A_775 : i32 to index
    %get3A_777 = arith.constant 64 : index
    %get3A_778 = tpu.vector_load %arg7[%get3A_776, %get3A_777] {strides = array<i32>} : memref<4x128xf32, #tpu.memory_space<vmem>>, vector<1x16xf32>,
    %get3A_779 = vector.shape_cast %get3A_778 : vector<1x16xf32> to vector<16xf32>
    %add3A_780 = arith.addf %add3A_774, %get3A_779 : vector<16xf32>
    %get3A_781 = arith.constant 2 : i32
    %get3A_782 = arith.index_cast %get3A_781 : i32 to index
    %get3A_783 = arith.constant 80 : index
    %get3A_784 = tpu.vector_load %arg7[%get3A_782, %get3A_783] {strides = array<i32>} : memref<4x128xf32, #tpu.memory_space<vmem>>, vector<1x16xf32>,
    %get3A_785 = vector.shape_cast %get3A_784 : vector<1x16xf32> to vector<16xf32>
    %add3A_786 = arith.addf %add3A_780, %get3A_785 : vector<16xf32>
    %get3A_787 = arith.constant 2 : i32
    %get3A_788 = arith.index_cast %get3A_787 : i32 to index
    %get3A_789 = arith.constant 96 : index
    %get3A_790 = tpu.vector_load %arg7[%get3A_788, %get3A_789] {strides = array<i32>} : memref<4x128xf32, #tpu.memory_space<vmem>>, vector<1x16xf32>,
    %get3A_791 = vector.shape_cast %get3A_790 : vector<1x16xf32> to vector<16xf32>
    %add3A_792 = arith.addf %add3A_786, %get3A_791 : vector<16xf32>
    %get3A_793 = arith.constant 2 : i32
    %get3A_794 = arith.index_cast %get3A_793 : i32 to index
    %get3A_795 = arith.constant 112 : index
    %get3A_796 = tpu.vector_load %arg7[%get3A_794, %get3A_795] {strides = array<i32>} : memref<4x128xf32, #tpu.memory_space<vmem>>, vector<1x16xf32>,
    %get3A_797 = vector.shape_cast %get3A_796 : vector<1x16xf32> to vector<16xf32>
    %add3A_798 = arith.addf %add3A_792, %get3A_797 : vector<16xf32>
    %get3A_799 = arith.constant 3 : i32
    %get3A_800 = arith.index_cast %get3A_799 : i32 to index
    %get3A_801 = arith.constant 0 : index
    %get3A_802 = tpu.vector_load %arg7[%get3A_800, %get3A_801] {strides = array<i32>} : memref<4x128xf32, #tpu.memory_space<vmem>>, vector<1x16xf32>,
    %get3A_803 = vector.shape_cast %get3A_802 : vector<1x16xf32> to vector<16xf32>
    %add3A_804 = arith.addf %add3A_798, %get3A_803 : vector<16xf32>
    %get3A_805 = arith.constant 3 : i32
    %get3A_806 = arith.index_cast %get3A_805 : i32 to index
    %get3A_807 = arith.constant 16 : index
    %get3A_808 = tpu.vector_load %arg7[%get3A_806, %get3A_807] {strides = array<i32>} : memref<4x128xf32, #tpu.memory_space<vmem>>, vector<1x16xf32>,
    %get3A_809 = vector.shape_cast %get3A_808 : vector<1x16xf32> to vector<16xf32>
    %add3A_810 = arith.addf %add3A_804, %get3A_809 : vector<16xf32>
    %get3A_811 = arith.constant 3 : i32
    %get3A_812 = arith.index_cast %get3A_811 : i32 to index
    %get3A_813 = arith.constant 32 : index
    %get3A_814 = tpu.vector_load %arg7[%get3A_812, %get3A_813] {strides = array<i32>} : memref<4x128xf32, #tpu.memory_space<vmem>>, vector<1x16xf32>,
    %get3A_815 = vector.shape_cast %get3A_814 : vector<1x16xf32> to vector<16xf32>
    %add3A_816 = arith.addf %add3A_810, %get3A_815 : vector<16xf32>
    %get3A_817 = arith.constant 3 : i32
    %get3A_818 = arith.index_cast %get3A_817 : i32 to index
    %get3A_819 = arith.constant 48 : index
    %get3A_820 = tpu.vector_load %arg7[%get3A_818, %get3A_819] {strides = array<i32>} : memref<4x128xf32, #tpu.memory_space<vmem>>, vector<1x16xf32>,
    %get3A_821 = vector.shape_cast %get3A_820 : vector<1x16xf32> to vector<16xf32>
    %add3A_822 = arith.addf %add3A_816, %get3A_821 : vector<16xf32>
    %get3A_823 = arith.constant 3 : i32
    %get3A_824 = arith.index_cast %get3A_823 : i32 to index
    %get3A_825 = arith.constant 64 : index
    %get3A_826 = tpu.vector_load %arg7[%get3A_824, %get3A_825] {strides = array<i32>} : memref<4x128xf32, #tpu.memory_space<vmem>>, vector<1x16xf32>,
    %get3A_827 = vector.shape_cast %get3A_826 : vector<1x16xf32> to vector<16xf32>
    %add3A_828 = arith.addf %add3A_822, %get3A_827 : vector<16xf32>
    %get3A_829 = arith.constant 3 : i32
    %get3A_830 = arith.index_cast %get3A_829 : i32 to index
    %get3A_831 = arith.constant 80 : index
    %get3A_832 = tpu.vector_load %arg7[%get3A_830, %get3A_831] {strides = array<i32>} : memref<4x128xf32, #tpu.memory_space<vmem>>, vector<1x16xf32>,
    %get3A_833 = vector.shape_cast %get3A_832 : vector<1x16xf32> to vector<16xf32>
    %add3A_834 = arith.addf %add3A_828, %get3A_833 : vector<16xf32>
    %get3A_835 = arith.constant 3 : i32
    %get3A_836 = arith.index_cast %get3A_835 : i32 to index
    %get3A_837 = arith.constant 96 : index
    %get3A_838 = tpu.vector_load %arg7[%get3A_836, %get3A_837] {strides = array<i32>} : memref<4x128xf32, #tpu.memory_space<vmem>>, vector<1x16xf32>,
    %get3A_839 = vector.shape_cast %get3A_838 : vector<1x16xf32> to vector<16xf32>
    %add3A_840 = arith.addf %add3A_834, %get3A_839 : vector<16xf32>
    %get3A_841 = arith.constant 3 : i32
    %get3A_842 = arith.index_cast %get3A_841 : i32 to index
    %get3A_843 = arith.constant 112 : index
    %get3A_844 = tpu.vector_load %arg7[%get3A_842, %get3A_843] {strides = array<i32>} : memref<4x128xf32, #tpu.memory_space<vmem>>, vector<1x16xf32>,
    %get3A_845 = vector.shape_cast %get3A_844 : vector<1x16xf32> to vector<16xf32>
    %add3A_846 = arith.addf %add3A_840, %get3A_845 : vector<16xf32>
    %swap3A_847 = arith.constant 0 : index
    %swap3A_848 = tpu.vector_load %arg8[%swap3A_847] {strides = array<i32>} : memref<16xf32, #tpu.memory_space<vmem>>, vector<16xf32>,
    %swap3A_849 = vector.shape_cast %swap3A_848 : vector<16xf32> to vector<16xf32>
    %swap3A_850 = vector.shape_cast %add3A_846 : vector<16xf32> to vector<16xf32>
    tpu.vector_store %arg8[%swap3A_847], %swap3A_850 {strides = array<i32>} : memref<16xf32, #tpu.memory_space<vmem>>, vector<16xf32>,
    "tpu.region"() ({
      %run_scoped3A = tpu.sem_alloc : memref<!tpu.dma_semaphore, #tpu.memory_space<semaphore_mem>>
      %dma_start3A_851 = arith.constant 0 : i32
      %dma_start3A_852 = tpu.memref_slice %arg4[%add3A, %dma_start3A_851] : memref<32x16xf32, #tpu.memory_space<hbm>> -> memref<1x16xf32, #tpu.memory_space<hbm>>
      %dma_start3A_853 = tpu.memref_squeeze %dma_start3A_852 : memref<1x16xf32, #tpu.memory_space<hbm>> -> memref<16xf32, #tpu.memory_space<hbm>>
      %dma_start3A_854 = arith.constant 0 : i32
      %dma_start3A_855 = tpu.memref_slice %arg4[%add3A, %dma_start3A_854] : memref<32x16xf32, #tpu.memory_space<hbm>> -> memref<1x16xf32, #tpu.memory_space<hbm>>
      %dma_start3A_856 = tpu.memref_squeeze %dma_start3A_855 : memref<1x16xf32, #tpu.memory_space<hbm>> -> memref<16xf32, #tpu.memory_space<hbm>>
      tpu.enqueue_dma source(%arg8 : memref<16xf32, #tpu.memory_space<vmem>>) target(%dma_start3A_856 : memref<16xf32, #tpu.memory_space<hbm>>) target_semaphore(%run_scoped3A : memref<!tpu.dma_semaphore, #tpu.memory_space<semaphore_mem>>)
      %dma_wait3A_857 = arith.constant 0 : i32
      %dma_wait3A_858 = tpu.memref_slice %arg4[%add3A, %dma_wait3A_857] : memref<32x16xf32, #tpu.memory_space<hbm>> -> memref<1x16xf32, #tpu.memory_space<hbm>>
      %dma_wait3A_859 = tpu.memref_squeeze %dma_wait3A_858 : memref<1x16xf32, #tpu.memory_space<hbm>> -> memref<16xf32, #tpu.memory_space<hbm>>
      %dma_wait3A_860 = arith.constant 0 : i32
      %dma_wait3A_861 = tpu.memref_slice %arg4[%add3A, %dma_wait3A_860] : memref<32x16xf32, #tpu.memory_space<hbm>> -> memref<1x16xf32, #tpu.memory_space<hbm>>
      %dma_wait3A_862 = tpu.memref_squeeze %dma_wait3A_861 : memref<1x16xf32, #tpu.memory_space<hbm>> -> memref<16xf32, #tpu.memory_space<hbm>>
      tpu.wait_dma2 semaphore(%run_scoped3A : memref<!tpu.dma_semaphore, #tpu.memory_space<semaphore_mem>>) src(%arg8 : memref<16xf32, #tpu.memory_space<vmem>>) dst(%dma_wait3A_862 : memref<16xf32, #tpu.memory_space<hbm>>)
      tpu.yield
    }) : () -> ()
    return
  }
}

module attributes {stable_mosaic.version = 14 : i64} {
  func.func @_tc_body(%arg0: i32, %arg1: memref<512x1000xf32, #tpu.memory_space<vmem>>, %arg2: memref<8x128xf32, #tpu.memory_space<vmem>>) attributes {dimension_semantics = [#tpu.dimension_semantics<arbitrary>], iteration_bounds = array<i64: 32>, scalar_prefetch = 0 : i64, scratch_operands = 0 : i64, tpu.core_type = #tpu.core_type<tc>, window_params = [{transform_indices = @transform_0, window_bounds = array<i64: 512, 1000>}, {pipeline_mode = #tpu.pipeline_mode<synchronous>, transform_indices = @transform_1, window_bounds = array<i64: 8, 128>}]} {
    %get3A = arith.constant 0 : index
    %get3A_0 = arith.constant 0 : index
    %get3A_1 = vector.load %arg1[%get3A, %get3A_0] : memref<512x1000xf32, #tpu.memory_space<vmem>>, vector<512x1000xf32>
    %reduce_max3A = arith.constant dense<0xFF800000> : vector<512xf32>
    %reduce_max3A_2 = vector.multi_reduction <maximumf>, %get3A_1, %reduce_max3A [1] : vector<512x1000xf32> to vector<512xf32>
    %broadcast_in_dim3A = vector.shape_cast %reduce_max3A_2 : vector<512xf32> to vector<512x1xf32>
    %sub3A = vector.broadcast %broadcast_in_dim3A : vector<512x1xf32> to vector<512x1000xf32>
    %sub3A_3 = arith.subf %get3A_1, %sub3A : vector<512x1000xf32>
    %exp3A = math.exp %sub3A_3 : vector<512x1000xf32>
    %reduce_sum3A = arith.constant dense<0.000000e+00> : vector<512xf32>
    %reduce_sum3A_4 = vector.multi_reduction <add>, %exp3A, %reduce_sum3A [1] : vector<512x1000xf32> to vector<512xf32>
    %log3A = math.log %reduce_sum3A_4 : vector<512xf32>
    %add3A = arith.addf %reduce_max3A_2, %log3A : vector<512xf32>
    %reduce_sum3A_5 = vector.shape_cast %add3A : vector<512xf32> to vector<1x512xf32>
    %reduce_sum3A_6 = arith.constant dense<0.000000e+00> : vector<1xf32>
    %reduce_sum3A_7 = vector.multi_reduction <add>, %reduce_sum3A_5, %reduce_sum3A_6 [1] : vector<1x512xf32> to vector<1xf32>
    %reduce_sum3A_8 = vector.shape_cast %reduce_sum3A_7 : vector<1xf32> to vector<1x1xf32>
    %reduce_sum3A_9 = vector.extract %reduce_sum3A_8[0, 0] : f32 from vector<1x1xf32>
    %reduce_sum3A_10 = vector.shape_cast %get3A_1 : vector<512x1000xf32> to vector<1x512x1000xf32>
    %reduce_sum3A_11 = arith.constant dense<0.000000e+00> : vector<1xf32>
    %reduce_sum3A_12 = vector.multi_reduction <add>, %reduce_sum3A_10, %reduce_sum3A_11 [1, 2] : vector<1x512x1000xf32> to vector<1xf32>
    %reduce_sum3A_13 = vector.shape_cast %reduce_sum3A_12 : vector<1xf32> to vector<1x1x1xf32>
    %reduce_sum3A_14 = vector.extract %reduce_sum3A_13[0, 0, 0] : f32 from vector<1x1x1xf32>
    %eq3A = arith.constant 0 : i32
    %eq3A_15 = arith.cmpi eq, %arg0, %eq3A : i32
    %convert_element_type3A = arith.extui %eq3A_15 : i1 to i32
    %cond3A = arith.constant 0 : i32
    %cond3A_16 = arith.cmpi ne, %convert_element_type3A, %cond3A : i32
    scf.if %cond3A_16 {
      %broadcast_in_dim3A_33 = arith.constant 0.000000e+00 : f32
      %broadcast_in_dim3A_34 = vector.broadcast %broadcast_in_dim3A_33 : f32 to vector<8x128xf32>
      %swap3A_35 = arith.constant 0 : index
      %swap3A_36 = arith.constant 0 : index
      %swap3A_37 = vector.load %arg2[%swap3A_35, %swap3A_36] : memref<8x128xf32, #tpu.memory_space<vmem>>, vector<8x128xf32>
      tpu.vector_store %arg2[%swap3A_35, %swap3A_36], %broadcast_in_dim3A_34 {strides = array<i32>} : memref<8x128xf32, #tpu.memory_space<vmem>>, vector<8x128xf32>,
    } else {
    }
    %iota3A = tpu.iota {dimensions = array<i32: 0>} : vector<8x128xi32>
    %get3A_17 = arith.constant 0 : index
    %get3A_18 = arith.constant 0 : index
    %get3A_19 = vector.load %arg2[%get3A_17, %get3A_18] : memref<8x128xf32, #tpu.memory_space<vmem>>, vector<8x128xf32>
    %eq3A_20 = arith.constant 0 : i32
    %eq3A_21 = vector.broadcast %eq3A_20 : i32 to vector<8x128xi32>
    %eq3A_22 = arith.cmpi eq, %iota3A, %eq3A_21 : vector<8x128xi32>
    %eq3A_23 = arith.constant 1 : i32
    %eq3A_24 = vector.broadcast %eq3A_23 : i32 to vector<8x128xi32>
    %eq3A_25 = arith.cmpi eq, %iota3A, %eq3A_24 : vector<8x128xi32>
    %jit3A = arith.constant 0.000000e+00 : f32
    %broadcast_in_dim3A_26 = vector.broadcast %reduce_sum3A_14 : f32 to vector<8x128xf32>
    %broadcast_in_dim3A_27 = vector.broadcast %jit3A : f32 to vector<8x128xf32>
    %select_n3A = arith.select %eq3A_25, %broadcast_in_dim3A_26, %broadcast_in_dim3A_27 : vector<8x128xi1>, vector<8x128xf32>
    %broadcast_in_dim3A_28 = vector.broadcast %reduce_sum3A_9 : f32 to vector<8x128xf32>
    %select_n3A_29 = arith.select %eq3A_22, %broadcast_in_dim3A_28, %select_n3A : vector<8x128xi1>, vector<8x128xf32>
    %add3A_30 = arith.addf %get3A_19, %select_n3A_29 : vector<8x128xf32>
    %swap3A = arith.constant 0 : index
    %swap3A_31 = arith.constant 0 : index
    %swap3A_32 = vector.load %arg2[%swap3A, %swap3A_31] : memref<8x128xf32, #tpu.memory_space<vmem>>, vector<8x128xf32>
    tpu.vector_store %arg2[%swap3A, %swap3A_31], %add3A_30 {strides = array<i32>} : memref<8x128xf32, #tpu.memory_space<vmem>>, vector<8x128xf32>,
    return
  }
  func.func @transform_0(%arg0: i32) -> (i32, i32) {
    %c0_i32 = arith.constant 0 : i32
    %c0_i32_0 = arith.constant 0 : i32
    return %arg0, %c0_i32 : i32, i32
  }
  func.func @transform_1(%arg0: i32) -> (i32, i32) {
    %c0_i32 = arith.constant 0 : i32
    %c0_i32_0 = arith.constant 0 : i32
    %c0_i32_1 = arith.constant 0 : i32
    return %c0_i32, %c0_i32_0 : i32, i32
  }
}

</mosaic_0001>

<sc_bundles>
// kernel: kernel.4.cloned.1.call-start
scs
__scs_entry_jumppad:
0x0: {  	(pc) =	sbr.rel $0x88, $3  }
0x1: {  	(tag) =	ssettag $0x0;
	lr =	simm.s32 $0x1  }
0x2: {  	[smem:$0x3F9F] =	sst lr;
	_ =	strace $0xD0000000  }
0x3: {  	_ = 	snop  }
0x4: {  	_ = 	snop  }
0x5: {  	_ = 	snop  }
0x6: {  	_ = 	snop  }
0x7: {  	_ = 	snop  }
__scs_overlays_trampoline_lowered:
0x8: {  	[smem:$0x3FAE] =	sst s0  }
0x9: {  	[smem:$0x3FAF] =	sst s1  }
0xa: {  	[smem:$0x3FB0] =	sst s2  }
0xb: {  	[smem:$0x3FB1] =	sst s3  }
0xc: {  	[smem:$0x3FB2] =	sst s4  }
0xd: {  	[smem:$0x3FB3] =	sst s5  }
0xe: {  	[smem:$0x3FB4] =	sst s6  }
0xf: {  	[smem:$0x3FB5] =	sst s7  }
0x10: {  	[smem:$0x3FB6] =	sst s8  }
0x11: {  	[smem:$0x3FB7] =	sst s9;
	s0 =	simm.s32 @!p0 $0x0  }
0x12: {  	s1 =	sld [smem:$0x3F9D];
	s0 =	simm.s32 @p0 $0x1  }
0x13: {  	[smem:$0x3FB8] =	sst s0;
	s0 =	simm.s32 @!p1 $0x0  }
0x14: {  	s2 =	sld [smem:$0x3F9C];
	s0 =	simm.s32 @p1 $0x1  }
0x15: {  	[smem:$0x3FB9] =	sst s0;
	s0 =	simm.s32 @!p2 $0x0  }
0x16: {  	s3 =	sld [smem:$0x3FDB];
	s0 =	simm.s32 @p2 $0x1  }
0x17: {  	s4 =	simm.s32 $0x1BF5;
	[smem:$0x3FBB] =	sst s0  }
0x18: {  	s0 =	sld [smem:$0x3F9E];
	_ =	swait.ge [sflag:s4], $0x0  }
0x19: {  	s7 =	sld [smem:$0x3F9F]  }
0x1a: {  	s8 =	sadd.s32 $0xFFFFE003, lr  }
0x1b: {  	s9 =	sadd.s32 $0xFFFFFEF7, lr;
	s5 =	simm.s32 $0xFFFFFFFF;
	p2 =	slt.u32 s8, $0xFFFFF086  }
0x1c: {  	p1 =	slt.u32 s9, $0xF7A;
	s5 =	simm.s32 @!p2 $0x0  }
0x1d: {  	s5 =	simm.s32 @p1 $0x1;
	p0 =	seq.s32 s7, s2  }
0x1e: {  	s7 =	smul.u32 @!p0 $0xF7A, s2;
	p2 =	seq.s32 @!p0 s5, $0x0  }
0x1f: {  	s9 =	smul.u32 $0xF7A, s1;
	s8 =	simm.s32 @!p0 $0x1BF5;
	p2 =	por !p2, p0  }
0x20: {  	[sflag:s8] =	ssyncset.s32 @!p0 $0xFFFFF086;
	s6 =	sadd.s32 @!p0 s3, s7;
	s7 =	simm.s32 @!p0 $0x108  }
0x21: {  	s3 =	sadd.s32 s3, s9;
	s6 =	sadd.s32 @!p0 $0x88, s6;
	s7 =	simm.s32 @p2 $0x1082  }
0x22: {  	[simem:s7], [sflag:s8] =	dma.local @!p0 [hbm:s6], $0xF7A  }
0x23: {  	s9 =	sor.u32 $0xD0000000, s2;
	s6 =	simm.s32 $0x108;
	_ =	swait.ge @!p0 [sflag:s8], $0x0  }
0x24: {  	s3 =	sadd.s32 $0x88, s3;
	s6 =	simm.s32 @!p1 $0x1082;
	[sflag:s4] =	ssyncset.s32 $0xFFFFF086  }
0x25: {  	[simem:s6], [sflag:s4] =	dma.local [hbm:s3], $0xF7A  }
0x26: {  	[smem:$0x3F9F] =	sst s1;
	(tag) =	ssettag s2;
	_ =	strace s9  }
0x27: {  	s1 =	sld [smem:$0x3FAF]  }
0x28: {  	s2 =	sld [smem:$0x3FB0]  }
0x29: {  	s4 =	sld [smem:$0x3FB2]  }
0x2a: {  	p0 =	seq.s32 s5, $0x0;
	s5 =	sld [smem:$0x3FB3]  }
0x2b: {  	s6 =	sld [smem:$0x3FB4]  }
0x2c: {  	s7 =	sld [smem:$0x3FB5]  }
0x2d: {  	s3 =	simm.s32 $0x108;
	s8 =	sld [smem:$0x3FB6]  }
0x2e: {  	s3 =	simm.s32 @!p0 $0x1082;
	s9 =	sld [smem:$0x3FB7]  }
0x2f: {  	lr =	sadd.s32 s0, s3;
	s0 =	sld [smem:$0x3FAE]  }
0x30: {  	s3 =	sld [smem:$0x3FB1]  }
0x31: {  	[smem:$0x3FBA] =	sst s10  }
0x32: {  	s10 =	sld [smem:$0x3FB8];
	_ =	sdelay $0x3  }
0x33: {  	p0 =	seq.s32 s10, $0x1;
	s10 =	sld [smem:$0x3FBA];
	_ =	sdelay $0x3  }
0x34: {  	[smem:$0x3FBA] =	sst s10  }
0x35: {  	s10 =	sld [smem:$0x3FB9];
	_ =	sdelay $0x3  }
0x36: {  	p1 =	seq.s32 s10, $0x1;
	s10 =	sld [smem:$0x3FBA];
	_ =	sdelay $0x3  }
0x37: {  	[smem:$0x3FBA] =	sst s10  }
0x38: {  	s10 =	sld [smem:$0x3FBB]  }
0x39: {  	_ = 	snop;
	(pc) =	sbr.ind lr, $3  }
0x3a: {  	_ = 	snop  }
0x3b: {  	_ = 	snop  }
0x3c: {  	p2 =	seq.s32 s10, $0x1;
	s10 =	sld [smem:$0x3FBA]  }
0x3d: {  	_ =	shalt  }
0x3e: {  	_ =	shalt  }
0x3f: {  	_ =	shalt  }
0x40: {  	_ =	shalt  }
0x41: {  	_ =	shalt  }
0x42: {  	_ =	shalt  }
0x43: {  	_ =	shalt  }
0x44: {  	_ =	shalt  }
0x45: {  	_ =	shalt  }
0x46: {  	_ =	shalt  }
0x47: {  	_ =	shalt  }
0x48: {  	_ =	shalt  }
0x49: {  	_ =	shalt  }
0x4a: {  	_ =	shalt  }
0x4b: {  	_ =	shalt  }
0x4c: {  	_ =	shalt  }
0x4d: {  	_ =	shalt  }
0x4e: {  	_ =	shalt  }
0x4f: {  	_ =	shalt  }
0x50: {  	_ =	shalt  }
0x51: {  	_ =	shalt  }
0x52: {  	_ =	shalt  }
0x53: {  	_ =	shalt  }
0x54: {  	_ =	shalt  }
0x55: {  	_ =	shalt  }
0x56: {  	_ =	shalt  }
0x57: {  	_ =	shalt  }
0x58: {  	_ =	shalt  }
0x59: {  	_ =	shalt  }
0x5a: {  	_ =	shalt  }
0x5b: {  	_ =	shalt  }
0x5c: {  	_ =	shalt  }
0x5d: {  	_ =	shalt  }
0x5e: {  	_ =	shalt  }
0x5f: {  	_ =	shalt  }
0x60: {  	_ =	shalt  }
0x61: {  	_ =	shalt  }
0x62: {  	_ =	shalt  }
0x63: {  	_ =	shalt  }
0x64: {  	_ =	shalt  }
0x65: {  	_ =	shalt  }
0x66: {  	_ =	shalt  }
0x67: {  	_ =	shalt  }
0x68: {  	_ =	shalt  }
0x69: {  	_ =	shalt  }
0x6a: {  	_ =	shalt  }
0x6b: {  	_ =	shalt  }
0x6c: {  	_ =	shalt  }
0x6d: {  	_ =	shalt  }
0x6e: {  	_ =	shalt  }
0x6f: {  	_ =	shalt  }
0x70: {  	_ =	shalt  }
0x71: {  	_ =	shalt  }
0x72: {  	_ =	shalt  }
0x73: {  	_ =	shalt  }
0x74: {  	_ =	shalt  }
0x75: {  	_ =	shalt  }
0x76: {  	_ =	shalt  }
0x77: {  	_ =	shalt  }
0x78: {  	_ =	shalt  }
0x79: {  	_ =	shalt  }
0x7a: {  	_ =	shalt  }
0x7b: {  	_ =	shalt  }
0x7c: {  	_ =	shalt  }
0x7d: {  	_ =	shalt  }
0x7e: {  	_ =	shalt  }
0x7f: {  	_ =	shalt  }
0x80: {  	_ =	shalt  }
0x81: {  	_ =	shalt  }
0x82: {  	_ =	shalt  }
0x83: {  	_ =	shalt  }
0x84: {  	_ =	shalt  }
0x85: {  	_ =	shalt  }
0x86: {  	_ =	shalt  }
0x87: {  	_ =	shalt  }
.Lfunc_end0:
.L_simem_size_0:
called_computation_lowered:
.L_overlay_start_0:
0x88: {  	s2 =	sld [smem:$0x3FD9]  }
0x89: {  	s3 =	sld [smem:$0x3FFE];
	_ =	sdelay $0x1  }
0x8a: {  	s1 =	srdreg.scid  }
0x8b: {  	s0 =	sand.u32 $0x1, s1  }
0x8c: {  	s17 =	sshll.u32 s0, $0xA;
	s2 =	sadd.s32 s3, s2  }
0x8d: {  	s2 =	sadd.s32 s2, s17  }
0x8e: {  	[smem:$0x3FC6] =	sst s2  }
0x8f: {  	_ = 	snop  }
0x90: {  	s2 =	sld [smem:$0x3FC8];
	(tm) =	ssettm $0x1  }
0x91: {  	s18 =	sld [smem:$0x3FFB];
	_ =	sdelay $0x3  }
0x92: {  	_ =	strace s18  }
0x93: {  	s3 =	sld [smem:$0x3FFC];
	_ =	sdelay $0x3  }
0x94: {  	_ =	strace s3  }
0x95: {  	s3 =	sld [smem:$0x3FFD];
	_ =	sdelay $0x3  }
0x96: {  	_ =	strace s3  }
0x97: {  	_ =	strace $0x8FFFFFFF  }
0x98: {  	s19 =	sld [smem:$0x3FDB];
	_ =	sdelay $0x1  }
0x99: {  	s4 =	simm.s32 $_scs_section_size  }
0x9a: {  	s5 =	simm.s32 $_size__tile_overlayer_lowered;
	s6 =	simm.s32 $_tile_overlayer_lowered  }
0x9b: {  	s22 =	simm.s32 $0x1BFF;
	s21 =	sshll.u32 s6, $0x1;
	s3 =	sadd.s32 s4, s19  }
0x9c: {  	s7 =	simm.s32 $0x0;
	s20 =	sshll.u32 s5, $0x1;
	s5 =	sadd.s32 s21, s3  }
0x9d: {  	[timem:s7], [sflag:s22] =	dma.local [hbm:s5], s20  }
0x9e: {  	_ =	swait.ge [sflag:s22], s20  }
0x9f: {  	s4 =	ssub.s32 $0x0, s20;
	[sflag:s22] =	ssyncset.done $0x0  }
0xa0: {  	[sflag:s22] =	ssyncadd.s32 s4;
	_ =	sdelay $0x1  }
0xa1: {  	s23 =	simm.s32 $0x1B8B  }
0xa2: {  	_ =	swait.ge [sflag:s23], $0x1  }
0xa3: {  	[sflag:s23] =	ssyncset.done $0x0  }
0xa4: {  	s25 =	simm.s32 $0x1B8E;
	s24 =	sld [smem:$0x3FFE];
	[sflag:s23] =	ssyncadd.s32 $0xFFFFFFFF  }
0xa5: {  	s26 =	simm.s32 $execute0_lowered;
	[smem:$0x3FD2] =	sst s25  }
0xa6: {  	s5 =	sshll.u32 s26, $0x1;
	_ =	strace $0x80000046;
	[dreg:$0x1] =	wrdreg $0xFFFFFFFF  }
0xa7: {  	s28 =	simm.s32 $_size_execute0_lowered;
	s3 =	sadd.s32 s3, s5;
	[dreg:$0x0] =	wrdreg $0x0  }
0xa8: {  	s5 =	sshll.u32 s28, $0x1;
	[dreg:$0x2] =	wrdreg s3  }
0xa9: {  	[dreg:$0x3] =	wrdreg s5  }
0xaa: {  	[dreg:$0x4] =	wrdreg $0xC0  }
0xab: {  	_ =	task [dreg:s7], $0x5FFFF  }
0xac: {  	[dreg:$0x1] =	wrdreg $0xFFFFFFFF  }
0xad: {  	[dreg:$0x0] =	wrdreg $0x60  }
0xae: {  	[dreg:$0x2] =	wrdreg s24  }
0xaf: {  	[dreg:$0x3] =	wrdreg s2  }
0xb0: {  	[dreg:$0x4] =	wrdreg $0x9  }
0xb1: {  	_ =	task.clear_ibuf [dreg:s7], $0x5FFFF;
	_ =	strace $0x90000046  }
0xb2: {  	s29 =	simm.s32 $0x9;
	_ =	strace $0x80000048  }
0xb3: {  	_ =	swait.ge [sflag:s29], $0x1  }
0xb4: {  	[sflag:s29] =	ssyncadd.s32 $0xFFFFFFFF  }
0xb5: {  	_ =	strace $0x90000048  }
0xb6: {  	_ =	sfence  }
0xb7: {  	s30 =	sld [smem:$0x0];
	_ =	sdelay $0x2  }
0xb8: {  	s31 =	sshll.u32 s1, $0xD;
	s1 =	sshrl.u32 s1, $0x2  }
0xb9: {  	s3 =	sand.u32 $0x4000, s31;
	s1 =	sadd.s32 s1, s30  }
0xba: {  	s0 =	sor.u32 s3, s0;
	s1 =	sshll.u32 s1, $0x11  }
0xbb: {  	s0 =	sor.u32 s1, s0  }
0xbc: {  	s0 =	sadd.s32 $0x8F2B, s0  }
0xbd: {  	[sflag:s0] =	ssyncadd.remote.s32 $0x1  }
0xbe: {  	_ =	sfence.sel $0xFFFF  }
0xbf: {  	[dreg:$0x0] =	wrdreg $0xFFFFFFFF;
	(pc) =	sbr.abs _section_cstart, $3  }
0xc0: {  	[dreg:$0x1] =	wrdreg $0xFFFFFFFF  }
0xc1: {  	_ =	task.clear_ibuf [dreg:s7], $0x2FFFF;
	_ =	strace $0x9FFFFFFF  }
0xc2: {  	(tm) =	ssettm $0x7FFFFFFF  }
0xc3: {  	_ =	shalt  }
tec
execute0_lowered:
.L_overlay_start_1:
0x0: {  	(tag) =	ssettag $0x1  }
0x1: {  	s1 =	srdreg.scid;
	s0 =	stileid.u32  }
0x2: {  	s17 =	sand.u32 $0x1, s1;
	s30 =	sshll.u32 s0, $0x1  }
0x3: {  	s16 =	sor.u32 s17, s30  }
0x4: {  	s5 =	sshll.u32 s16, $0x9  }
0x5: {  	v0 =	vmov s5  }
0x6: {  	s31 =	sor.u32 $0x10, s5;
	s3 =	sor.u32 $0x30, s5;
	v29 =	vmul.u32 $0x3E8, v0  }
0x7: {  	s4 =	sor.u32 $0x70, s5;
	s11 =	sor.u32 $0xD0, s5;
	s19 =	sor.u32 $0x120, s5;
	v0 =	vlaneseq.u32;
	v1 =	vmov s31;
	v2 =	vmov s3  }
0x8: {  	s21 =	sor.u32 $0x150, s5;
	s26 =	sor.u32 $0x1D0, s5;
	s28 =	sor.u32 $0x1A0, s5;
	v4 =	vmov s4;
	v14 =	vmov s11;
	v10 =	vmov s19  }
0x9: {  	s29 =	sor.u32 $0x1C0, s5;
	s30 =	sor.u32 $0x1B0, s5;
	v8 =	vmov s21;
	v24 =	vmov s26;
	v30 =	vmov s28  }
0xa: {  	s2 =	sor.u32 $0x20, s5;
	v32 =	vmov s29;
	v52 =	vmov s30;
	v31 =	vmul.u32 $0x3E8, v0  }
0xb: {  	v0 =	vmul.u32 $0x3E8, v1;
	v1 =	vmov s2;
	v2 =	vmul.u32 $0x3E8, v2  }
0xc: {  	s2 =	sor.u32 $0x40, s5;
	v24 =	vmul.u32 $0x3E8, v24;
	v32 =	vmul.u32 $0x3E8, v32;
	v30 =	vmul.u32 $0x3E8, v30  }
0xd: {  	v60 =	vmul.u32 $0x3E8, v8;
	v63 =	vmul.u32 $0x3E8, v10;
	v3 =	vmov s2  }
0xe: {  	s8 =	sor.u32 $0x60, s5;
	v1 =	vmul.u32 $0x3E8, v1;
	v3 =	vmul.u32 $0x3E8, v3;
	v28 =	vbroadcast v0, $0x0  }
0xf: {  	s18 =	rddreg [dreg:$0x0];
	s6 =	sor.u32 $0x50, s5;
	s15 =	sor.u32 $0x110, s5;
	v0 =	vmul.u32 $0x3E8, v4;
	v26 =	vbroadcast v2, $0x0;
	v2 =	vmov s8  }
0x10: {  	s9 =	rddreg [dreg:$0x1];
	s24 =	sor.u32 $0x180, s5;
	v4 =	vmov s15;
	v27 =	vbroadcast v1, $0x0;
	v1 =	vmov s6  }
0x11: {  	s1 =	rddreg [dreg:$0x2];
	s7 =	sor.u32 $0x90, s5;
	s8 =	sor.u32 $0x190, s5;
	v21 =	vmul.u32 $0x3E8, v2;
	v12 =	vmul.u32 $0x3E8, v4;
	v4 =	vmov s24  }
0x12: {  	s14 =	sor.u32 $0x100, s5;
	s20 =	sor.u32 $0x140, s5;
	s3 =	sor.u32 $0x80, s5;
	v5 =	vmov s8;
	v22 =	vmul.u32 $0x3E8, v1;
	v1 =	vmov s7  }
0x13: {  	s22 =	sor.u32 $0x160, s5;
	s2 =	simm.s32 $0x0;
	s6 =	sor.u32 $0xF0, s5;
	v23 =	vbroadcast v3, $0x0;
	v3 =	vmov s3;
	v1 =	vmul.u32 $0x3E8, v1  }
0x14: {  	s4 =	sor.u32 $0xA0, s5;
	[smem:$0x7FF] =	sst s2;
	v2 =	vmov s6;
	s7 =	sshll.u32 s16, $0x6;
	v7 =	vmul.u32 $0x3E8, v4;
	v19 =	vmul.u32 $0x3E8, v3  }
0x15: {  	_ =	strace $0x80000047;
	s3 =	simm.s32 $0x2;
	v3 =	vmov s14;
	v20 =	vbroadcast v1, $0x0;
	v1 =	vmov s4;
	s4 =	sadd.s32 s9, s7  }
0x16: {  	v2 =	vmul.u32 $0x3E8, v2;
	v13 =	vmul.u32 $0x3E8, v3;
	v3 =	vmov s20;
	[tilespmem:s2], [sflag:$0x2] =	stream.linear.gather [hbm4b:s4+s2], $0x200, $0x38;
	[tilespmem:$0x680] =	vst v63  }
0x17: {  	s10 =	sor.u32 $0xC0, s5;
	s23 =	sor.u32 $0x1F0, s5;
	v11 =	vmul.u32 $0x3E8, v3;
	v3 =	vmov s22;
	v16 =	vmul.u32 $0x3E8, v1;
	_ =	swait.ge [sflag:s3], $0x200  }
0x18: {  	s12 =	sor.u32 $0xE0, s5;
	v1 =	vmov s10;
	v9 =	vmul.u32 $0x3E8, v3;
	v3 =	vmov s23;
	[sflag:s3] =	ssyncset.done $0x0  }
0x19: {  	s13 =	sor.u32 $0x170, s5;
	v17 =	vmul.u32 $0x3E8, v1;
	v1 =	vmov s12;
	v3 =	vmul.u32 $0x3E8, v3;
	[sflag:s3] =	ssyncadd.s32 $0xFFFFFE00  }
0x1a: {  	s25 =	sor.u32 $0x1E0, s5;
	v15 =	vmul.u32 $0x3E8, v1;
	v1 =	vbroadcast v2, $0x0;
	v2 =	vmov s13;
	v6 =	vld [tilespmem:$0x1F0]  }
0x1b: {  	v18 =	vmul.u32 $0x3E8, v5;
	v4 =	vmov s25;
	v2 =	vmul.u32 $0x3E8, v2;
	v5 =	vld [tilespmem:$0x170]  }
0x1c: {  	s31 =	sor.u32 $0x130, s5;
	v39 =	vbroadcast v29, $0x0;
	v4 =	vmul.u32 $0x3E8, v4;
	v3 =	vbroadcast v3, $0x0;
	v25 =	vld [tilespmem:$0x1E0]  }
0x1d: {  	v58 =	vmov s31;
	v24 =	vbroadcast v24, $0x0;
	v37 =	vld [tilespmem:$0x190];
	v2 =	vbroadcast v2, $0x0  }
0x1e: {  	v32 =	vbroadcast v32, $0x0;
	v4 =	vbroadcast v4, $0x0;
	v38 =	vld [tilespmem:$0x40];
	v3 =	vadd.s32 v31, v3  }
0x1f: {  	v18 =	vbroadcast v18, $0x0;
	v33 =	vld [tilespmem:$0x1D0];
	v2 =	vadd.s32 v31, v2;
	v6 =	vadd.s32 v6, v3  }
0x20: {  	v30 =	vbroadcast v30, $0x0;
	v4 =	vadd.s32 v31, v4;
	v59 =	vld [tilespmem:$0xF0];
	v36 =	vadd.s32 v5, v2;
	[tilespmem:$0x3F0] =	vst v6  }
0x21: {  	v0 =	vbroadcast v0, $0x0;
	v8 =	vadd.s32 v31, v18;
	v35 =	vld [tilespmem:$0x1A0];
	v25 =	vadd.s32 v25, v4;
	[tilespmem:$0x370] =	vst v36  }
0x22: {  	v44 =	vbroadcast v12, $0x0;
	v23 =	vadd.s32 v31, v23;
	v34 =	vld [tilespmem:$0x1C0];
	v62 =	vadd.s32 v37, v8;
	[tilespmem:$0x3E0] =	vst v25  }
0x23: {  	v41 =	vbroadcast v11, $0x0;
	v5 =	vadd.s32 v31, v24;
	v24 =	vld [tilespmem:$0x180];
	v38 =	vadd.s32 v38, v23;
	[tilespmem:$0x390] =	vst v62  }
0x24: {  	v1 =	vadd.s32 v31, v1;
	v18 =	vld [tilespmem:$0x150];
	v6 =	vadd.s32 v31, v32;
	v33 =	vadd.s32 v33, v5;
	[tilespmem:$0x240] =	vst v38  }
0x25: {  	v25 =	vbroadcast v7, $0x0;
	v7 =	vadd.s32 v31, v30;
	v30 =	vld [tilespmem:$0x160];
	v32 =	vadd.s32 v59, v1;
	[tilespmem:$0x3D0] =	vst v33  }
0x26: {  	v61 =	vbroadcast v9, $0x0;
	v42 =	vld [tilespmem:$0x110];
	v35 =	vadd.s32 v35, v7;
	v33 =	vbroadcast v60, $0x0;
	[tilespmem:$0x2F0] =	vst v32  }
0x27: {  	v34 =	vadd.s32 v34, v6;
	v9 =	vadd.s32 v31, v25;
	v25 =	vld [tilespmem:$0x140];
	[tilespmem:$0x3A0] =	vst v35;
	v35 =	vmul.u32 $0x3E8, v58  }
0x28: {  	v10 =	vadd.s32 v31, v61;
	v61 =	vld [tilespmem:$0x130];
	[tilespmem:$0x3C0] =	vst v34;
	v11 =	vadd.s32 v31, v33;
	v24 =	vadd.s32 v24, v9  }
0x29: {  	v28 =	vadd.s32 v31, v28;
	v40 =	vld [tilespmem:$0x120];
	v18 =	vadd.s32 v18, v11;
	v35 =	vbroadcast v35, $0x0;
	[tilespmem:$0x380] =	vst v24  }
0x2a: {  	v59 =	vld [tilespmem:$0x10];
	v30 =	vadd.s32 v30, v10;
	[tilespmem:$0x350] =	vst v18;
	v18 =	vmul.u32 $0x3E8, v14;
	v14 =	vadd.s32 v31, v44  }
0x2b: {  	v12 =	vadd.s32 v31, v41;
	v43 =	vld [tilespmem:$0x100];
	v24 =	vbroadcast v63, $0x0;
	[tilespmem:$0x360] =	vst v30;
	v34 =	vadd.s32 v42, v14  }
0x2c: {  	v45 =	vld [tilespmem:$0x70];
	v30 =	vbroadcast v13, $0x0;
	v29 =	vadd.s32 v31, v35;
	v25 =	vadd.s32 v25, v12;
	[tilespmem:$0x310] =	vst v34  }
0x2d: {  	v0 =	vadd.s32 v31, v0;
	v13 =	vadd.s32 v31, v24;
	v24 =	vld [tilespmem:$0xE0];
	v41 =	vadd.s32 v61, v29;
	[tilespmem:$0x340] =	vst v25  }
0x2e: {  	v47 =	vadd.s32 v40, v13;
	v25 =	vbroadcast v15, $0x0;
	v15 =	vadd.s32 v31, v30;
	v30 =	vld [tilespmem:$0xC0];
	[tilespmem:$0x330] =	vst v41  }
0x2f: {  	v56 =	vbroadcast v22, $0x0;
	v46 =	vld [tilespmem:$0xD0];
	v18 =	vbroadcast v18, $0x0;
	v40 =	vadd.s32 v59, v28;
	[tilespmem:$0x320] =	vst v47  }
0x30: {  	v48 =	vbroadcast v16, $0x0;
	v50 =	vbroadcast v17, $0x0;
	v51 =	vld [tilespmem:$0x90];
	v32 =	vadd.s32 v43, v15;
	[tilespmem:$0x210] =	vst v40  }
0x31: {  	v49 =	vld [tilespmem:$0xA0];
	v17 =	vadd.s32 v31, v18;
	v16 =	vadd.s32 v31, v25;
	v25 =	vadd.s32 v45, v0;
	[tilespmem:$0x300] =	vst v32  }
0x32: {  	v53 =	vld [tilespmem:$0x1B0];
	v18 =	vadd.s32 v31, v50;
	v32 =	vmul.u32 $0x3E8, v52;
	[tilespmem:$0x270] =	vst v25;
	v24 =	vadd.s32 v24, v16  }
0x33: {  	v20 =	vadd.s32 v31, v20;
	v57 =	vld [tilespmem:$0x30];
	[tilespmem:$0x2E0] =	vst v24;
	v24 =	vbroadcast v19, $0x0;
	v30 =	vadd.s32 v30, v18  }
0x34: {  	v33 =	vadd.s32 v46, v17;
	v25 =	vld [tilespmem:$0x80];
	v32 =	vbroadcast v32, $0x0;
	[tilespmem:$0x2C0] =	vst v30;
	v30 =	vbroadcast v21, $0x0  }
0x35: {  	v54 =	vld [tilespmem:$0x60];
	[tilespmem:$0x2D0] =	vst v33;
	v19 =	vadd.s32 v31, v48;
	v21 =	vadd.s32 v31, v24;
	v24 =	vadd.s32 v51, v20  }
0x36: {  	s5 =	sor.u32 $0xB0, s5;
	v37 =	vadd.s32 v49, v19;
	v22 =	vadd.s32 v31, v32;
	[tilespmem:$0x290] =	vst v24;
	v24 =	vadd.s32 v31, v30;
	v30 =	vld [tilespmem:$0x20]  }
0x37: {  	v26 =	vadd.s32 v31, v26;
	v55 =	vld [tilespmem:$0x50];
	v60 =	vmov s5;
	[tilespmem:$0x2A0] =	vst v37;
	v34 =	vadd.s32 v53, v22  }
0x38: {  	v62 =	vld [tilespmem:$0xB0];
	v32 =	vadd.s32 v57, v26;
	[tilespmem:$0x3B0] =	vst v34;
	v34 =	vmul.u32 $0x3E8, v60  }
0x39: {  	v63 =	vld [tilespmem:$0x0];
	[tilespmem:$0x230] =	vst v32;
	v25 =	vadd.s32 v25, v21  }
0x3a: {  	v27 =	vadd.s32 v31, v27;
	[tilespmem:$0x280] =	vst v25;
	v36 =	vadd.s32 v54, v24;
	v34 =	vbroadcast v34, $0x0  }
0x3b: {  	v25 =	vadd.s32 v31, v56;
	[tilespmem:$0x260] =	vst v36;
	v30 =	vadd.s32 v30, v27  }
0x3c: {  	v33 =	vadd.s32 v55, v25;
	[tilespmem:$0x220] =	vst v30;
	v30 =	vadd.s32 v31, v34  }
0x3d: {  	[tilespmem:$0x250] =	vst v33;
	v31 =	vadd.s32 v31, v39;
	v42 =	vadd.s32 v62, v30  }
0x3e: {  	s8 =	simm.s32 $0x400;
	v43 =	vadd.s32 v63, v31;
	[tilespmem:$0x2B0] =	vst v42  }
0x3f: {  	s6 =	simm.s32 $0x80;
	s7 =	simm.s32 $0x200;
	s5 =	sadd.s32 $0x200200, s18;
	[tilespmem:$0x200] =	vst v43  }
0x40: {  	[tilespmem:s8], [sflag:$0x1] =	stream.indirect.gather [hbm4b:s5+s6], $0x1, s7, s6, $0xb8;
	[tilespmem:$0x680] =	vst v63  }
0x41: {  	s9 =	simm.s32 $0x280;
	s10 =	simm.s32 $0x480  }
0x42: {  	[tilespmem:s10], [sflag:$0x1] =	stream.indirect.gather [hbm4b:s5+s6], $0x1, s9, s6, $0xb8;
	[tilespmem:$0x680] =	vst v63  }
0x43: {  	s11 =	simm.s32 $0x300;
	s12 =	simm.s32 $0x500  }
0x44: {  	[tilespmem:s12], [sflag:$0x1] =	stream.indirect.gather [hbm4b:s5+s6], $0x1, s11, s6, $0xb8;
	[tilespmem:$0x680] =	vst v63  }
0x45: {  	s15 =	simm.s32 $0x1;
	s14 =	simm.s32 $0x580;
	s13 =	simm.s32 $0x380  }
0x46: {  	[tilespmem:s14], [sflag:$0x1] =	stream.indirect.gather [hbm4b:s5+s6], $0x1, s13, s6, $0xb8;
	[tilespmem:$0x680] =	vst v63  }
0x47: {  	_ =	swait.ge [sflag:s15], $0x80  }
0x48: {  	[sflag:s15] =	ssyncset.done $0x0  }
0x49: {  	[sflag:s15] =	ssyncadd.s32 $0xFFFFFF80  }
0x4a: {  	_ =	swait.ge [sflag:s15], $0x80  }
0x4b: {  	[sflag:s15] =	ssyncset.done $0x0  }
0x4c: {  	[sflag:s15] =	ssyncadd.s32 $0xFFFFFF80  }
0x4d: {  	_ =	swait.ge [sflag:s15], $0x80  }
0x4e: {  	[sflag:s15] =	ssyncset.done $0x0  }
0x4f: {  	[sflag:s15] =	ssyncadd.s32 $0xFFFFFF80  }
0x50: {  	_ =	swait.ge [sflag:s15], $0x80  }
0x51: {  	[sflag:s15] =	ssyncset.done $0x0  }
0x52: {  	[sflag:s15] =	ssyncadd.s32 $0xFFFFFF80  }
0x53: {  	v44 =	vld [tilespmem:$0x400];
	_ =	sdelay $0x1  }
0x54: {  	v45 =	vld [tilespmem:$0x410];
	_ =	sdelay $0x1  }
0x55: {  	v46 =	vld [tilespmem:$0x420]  }
0x56: {  	v32 =	vadd.f32 $0.0e+00, v44  }
0x57: {  	v47 =	vld [tilespmem:$0x430]  }
0x58: {  	v32 =	vadd.f32 v45, v32  }
0x59: {  	v48 =	vld [tilespmem:$0x440]  }
0x5a: {  	v32 =	vadd.f32 v46, v32  }
0x5b: {  	v49 =	vld [tilespmem:$0x450]  }
0x5c: {  	v32 =	vadd.f32 v47, v32  }
0x5d: {  	v50 =	vld [tilespmem:$0x460]  }
0x5e: {  	v32 =	vadd.f32 v48, v32  }
0x5f: {  	v51 =	vld [tilespmem:$0x470]  }
0x60: {  	v32 =	vadd.f32 v49, v32  }
0x61: {  	v52 =	vld [tilespmem:$0x480]  }
0x62: {  	v32 =	vadd.f32 v50, v32  }
0x63: {  	v53 =	vld [tilespmem:$0x490]  }
0x64: {  	v32 =	vadd.f32 v51, v32  }
0x65: {  	v54 =	vld [tilespmem:$0x4A0]  }
0x66: {  	v32 =	vadd.f32 v52, v32  }
0x67: {  	v55 =	vld [tilespmem:$0x4B0]  }
0x68: {  	v32 =	vadd.f32 v53, v32  }
0x69: {  	v56 =	vld [tilespmem:$0x4C0]  }
0x6a: {  	v32 =	vadd.f32 v54, v32  }
0x6b: {  	v57 =	vld [tilespmem:$0x4D0]  }
0x6c: {  	v32 =	vadd.f32 v55, v32  }
0x6d: {  	v58 =	vld [tilespmem:$0x4E0]  }
0x6e: {  	v32 =	vadd.f32 v56, v32  }
0x6f: {  	v59 =	vld [tilespmem:$0x4F0]  }
0x70: {  	v32 =	vadd.f32 v57, v32  }
0x71: {  	v60 =	vld [tilespmem:$0x500]  }
0x72: {  	s17 =	ssub.s32 $0x2, s17;
	v32 =	vadd.f32 v58, v32  }
0x73: {  	s19 =	sshrl.u32 s17, $0x1;
	v61 =	vld [tilespmem:$0x510]  }
0x74: {  	s17 =	ssub.s32 s17, s19;
	v32 =	vadd.f32 v59, v32  }
0x75: {  	s19 =	smax.u32 s17, $0x1  }
0x76: {  	p0 =	sne.s32 s19, $0x1;
	v62 =	vld [tilespmem:$0x520];
	v33 =	vadd.f32 v60, v32  }
.Ltmp0:
0x77: {  	_ = 	snop;
	(pc) =	sbr.rel @!p0 .LBB2_2-.Ltmp0, $4  }
0x78: {  	v63 =	vadd.f32 v61, v33;
	v33 =	vld [tilespmem:$0x530]  }
0x79: {  	s16 =	sshll.u32 s16, $0x4  }
0x7a: {  	s16 =	sadd.s32 s16, s18;
	v34 =	vld [tilespmem:$0x540]  }
0x7b: {  	s17 =	simm.s32 $0x600;
	s16 =	sadd.s32 $0x3F4200, s16;
	s18 =	sadd.s32 $0xFFFFFFFF, s19;
	v32 =	vld [tilespmem:$0x550];
	v35 =	vadd.f32 v62, v63  }
.LBB2_1:
0x7c: {  	p0 =	sne.s32 s18, $0x1;
	s18 =	sadd.s32 $0xFFFFFFFF, s18  }
0x7d: {  	v33 =	vadd.f32 v33, v35  }
0x7e: {  	v35 =	vld [tilespmem:$0x560]  }
0x7f: {  	v33 =	vadd.f32 v34, v33  }
0x80: {  	v34 =	vld [tilespmem:$0x570]  }
0x81: {  	v32 =	vadd.f32 v32, v33  }
0x82: {  	v33 =	vld [tilespmem:$0x580]  }
0x83: {  	v32 =	vadd.f32 v35, v32  }
0x84: {  	v35 =	vld [tilespmem:$0x590]  }
0x85: {  	v32 =	vadd.f32 v34, v32  }
0x86: {  	v34 =	vld [tilespmem:$0x5A0]  }
0x87: {  	v32 =	vadd.f32 v33, v32  }
0x88: {  	v33 =	vld [tilespmem:$0x5B0]  }
0x89: {  	v32 =	vadd.f32 v35, v32  }
0x8a: {  	v35 =	vld [tilespmem:$0x5C0]  }
0x8b: {  	v32 =	vadd.f32 v34, v32  }
0x8c: {  	v34 =	vld [tilespmem:$0x5D0]  }
0x8d: {  	v32 =	vadd.f32 v33, v32  }
0x8e: {  	v33 =	vld [tilespmem:$0x5E0]  }
0x8f: {  	v32 =	vadd.f32 v35, v32  }
0x90: {  	v35 =	vld [tilespmem:$0x5F0]  }
0x91: {  	v32 =	vadd.f32 v34, v32;
	_ =	sdelay $0x1  }
0x92: {  	v32 =	vadd.f32 v33, v32;
	_ =	sdelay $0x1  }
0x93: {  	v32 =	vadd.f32 v35, v32;
	_ =	sdelay $0x1  }
0x94: {  	[tilespmem:$0x600] =	vst v32  }
0x95: {  	[hbm4b:s16+s2] =	stream.linear.scatter [tilespmem:s17], [sflag:$0x2], $0x80, $0x38;
	[tilespmem:$0x680] =	vst v63  }
0x96: {  	_ =	swait.ge [sflag:s3], $0x80  }
0x97: {  	[sflag:s3] =	ssyncset.done $0x0  }
0x98: {  	[sflag:s3] =	ssyncadd.s32 $0xFFFFFF80  }
0x99: {  	[tilespmem:s2], [sflag:$0x2] =	stream.linear.gather [hbm4b:s4+s2], $0x200, $0x38;
	[tilespmem:$0x680] =	vst v63  }
0x9a: {  	_ =	swait.ge [sflag:s3], $0x200  }
0x9b: {  	[sflag:s3] =	ssyncset.done $0x0  }
0x9c: {  	[sflag:s3] =	ssyncadd.s32 $0xFFFFFE00  }
0x9d: {  	v32 =	vld [tilespmem:$0x1F0]  }
0x9e: {  	v33 =	vld [tilespmem:$0x170]  }
0x9f: {  	v34 =	vld [tilespmem:$0x1E0]  }
0xa0: {  	v35 =	vld [tilespmem:$0x1D0]  }
0xa1: {  	v36 =	vld [tilespmem:$0x1C0]  }
0xa2: {  	v37 =	vld [tilespmem:$0x1A0];
	v32 =	vadd.s32 v32, v3  }
0xa3: {  	v33 =	vadd.s32 v33, v2;
	v38 =	vld [tilespmem:$0x190];
	[tilespmem:$0x3F0] =	vst v32  }
0xa4: {  	[tilespmem:$0x370] =	vst v33;
	v32 =	vld [tilespmem:$0x180];
	v33 =	vadd.s32 v34, v4  }
0xa5: {  	v34 =	vld [tilespmem:$0xF0];
	v35 =	vadd.s32 v35, v5;
	[tilespmem:$0x3E0] =	vst v33  }
0xa6: {  	v33 =	vld [tilespmem:$0x160];
	v36 =	vadd.s32 v36, v6;
	[tilespmem:$0x3D0] =	vst v35  }
0xa7: {  	v35 =	vld [tilespmem:$0x150];
	v37 =	vadd.s32 v37, v7;
	[tilespmem:$0x3C0] =	vst v36  }
0xa8: {  	v36 =	vld [tilespmem:$0x140];
	v38 =	vadd.s32 v38, v8;
	[tilespmem:$0x3A0] =	vst v37  }
0xa9: {  	v37 =	vld [tilespmem:$0x120];
	v32 =	vadd.s32 v32, v9;
	[tilespmem:$0x390] =	vst v38  }
0xaa: {  	v34 =	vadd.s32 v34, v1;
	v38 =	vld [tilespmem:$0x110];
	[tilespmem:$0x380] =	vst v32  }
0xab: {  	[tilespmem:$0x2F0] =	vst v34;
	v32 =	vld [tilespmem:$0x100];
	v33 =	vadd.s32 v33, v10  }
0xac: {  	v34 =	vld [tilespmem:$0x70];
	v35 =	vadd.s32 v35, v11;
	[tilespmem:$0x360] =	vst v33  }
0xad: {  	v33 =	vld [tilespmem:$0xE0];
	v36 =	vadd.s32 v36, v12;
	[tilespmem:$0x350] =	vst v35  }
0xae: {  	v35 =	vld [tilespmem:$0xD0];
	v37 =	vadd.s32 v37, v13;
	[tilespmem:$0x340] =	vst v36  }
0xaf: {  	v36 =	vld [tilespmem:$0xC0];
	v38 =	vadd.s32 v38, v14;
	[tilespmem:$0x320] =	vst v37  }
0xb0: {  	v37 =	vld [tilespmem:$0xA0];
	v32 =	vadd.s32 v32, v15;
	[tilespmem:$0x310] =	vst v38  }
0xb1: {  	v34 =	vadd.s32 v34, v0;
	v38 =	vld [tilespmem:$0x90];
	[tilespmem:$0x300] =	vst v32  }
0xb2: {  	[tilespmem:$0x270] =	vst v34;
	v32 =	vld [tilespmem:$0x80];
	v33 =	vadd.s32 v33, v16  }
0xb3: {  	v34 =	vadd.s32 v35, v17;
	[tilespmem:$0x2E0] =	vst v33;
	v33 =	vld [tilespmem:$0x1B0]  }
0xb4: {  	v35 =	vld [tilespmem:$0x60];
	v36 =	vadd.s32 v36, v18;
	[tilespmem:$0x2D0] =	vst v34  }
0xb5: {  	v34 =	vld [tilespmem:$0x50];
	v37 =	vadd.s32 v37, v19;
	[tilespmem:$0x2C0] =	vst v36  }
0xb6: {  	v36 =	vld [tilespmem:$0x40];
	v38 =	vadd.s32 v38, v20;
	[tilespmem:$0x2A0] =	vst v37  }
0xb7: {  	v37 =	vld [tilespmem:$0x30];
	v32 =	vadd.s32 v32, v21;
	[tilespmem:$0x290] =	vst v38  }
0xb8: {  	v38 =	vld [tilespmem:$0x20];
	[tilespmem:$0x280] =	vst v32;
	v32 =	vadd.s32 v33, v22  }
0xb9: {  	v33 =	vld [tilespmem:$0x10];
	v35 =	vadd.s32 v35, v24;
	[tilespmem:$0x3B0] =	vst v32  }
0xba: {  	v32 =	vadd.s32 v34, v25;
	[tilespmem:$0x260] =	vst v35;
	v34 =	vld [tilespmem:$0x130]  }
0xbb: {  	v35 =	vadd.s32 v36, v23;
	[tilespmem:$0x250] =	vst v32;
	v32 =	vld [tilespmem:$0xB0]  }
0xbc: {  	v36 =	vld [tilespmem:$0x0];
	v37 =	vadd.s32 v37, v26;
	[tilespmem:$0x240] =	vst v35  }
0xbd: {  	v35 =	vadd.s32 v38, v27;
	[tilespmem:$0x230] =	vst v37  }
0xbe: {  	v33 =	vadd.s32 v33, v28;
	[tilespmem:$0x220] =	vst v35  }
0xbf: {  	[tilespmem:$0x210] =	vst v33;
	v33 =	vadd.s32 v34, v29  }
0xc0: {  	v32 =	vadd.s32 v32, v30;
	[tilespmem:$0x330] =	vst v33  }
0xc1: {  	v33 =	vadd.s32 v36, v31;
	[tilespmem:$0x2B0] =	vst v32  }
0xc2: {  	[tilespmem:$0x200] =	vst v33  }
0xc3: {  	[tilespmem:s8], [sflag:$0x1] =	stream.indirect.gather [hbm4b:s5+s6], $0x1, s7, s6, $0xb8;
	[tilespmem:$0x680] =	vst v63  }
0xc4: {  	_ = 	snop  }
0xc5: {  	[tilespmem:s10], [sflag:$0x1] =	stream.indirect.gather [hbm4b:s5+s6], $0x1, s9, s6, $0xb8;
	[tilespmem:$0x680] =	vst v63  }
0xc6: {  	_ = 	snop  }
0xc7: {  	[tilespmem:s12], [sflag:$0x1] =	stream.indirect.gather [hbm4b:s5+s6], $0x1, s11, s6, $0xb8;
	[tilespmem:$0x680] =	vst v63  }
0xc8: {  	_ = 	snop  }
0xc9: {  	[tilespmem:s14], [sflag:$0x1] =	stream.indirect.gather [hbm4b:s5+s6], $0x1, s13, s6, $0xb8;
	[tilespmem:$0x680] =	vst v63  }
0xca: {  	_ =	swait.ge [sflag:s15], $0x80  }
0xcb: {  	[sflag:s15] =	ssyncset.done $0x0  }
0xcc: {  	[sflag:s15] =	ssyncadd.s32 $0xFFFFFF80  }
0xcd: {  	_ =	swait.ge [sflag:s15], $0x80  }
0xce: {  	[sflag:s15] =	ssyncset.done $0x0  }
0xcf: {  	[sflag:s15] =	ssyncadd.s32 $0xFFFFFF80  }
0xd0: {  	_ =	swait.ge [sflag:s15], $0x80  }
0xd1: {  	[sflag:s15] =	ssyncset.done $0x0  }
0xd2: {  	[sflag:s15] =	ssyncadd.s32 $0xFFFFFF80  }
0xd3: {  	_ =	swait.ge [sflag:s15], $0x80  }
0xd4: {  	[sflag:s15] =	ssyncset.done $0x0  }
0xd5: {  	[sflag:s15] =	ssyncadd.s32 $0xFFFFFF80  }
0xd6: {  	v33 =	vld [tilespmem:$0x400]  }
0xd7: {  	v32 =	vld [tilespmem:$0x550]  }
0xd8: {  	v34 =	vld [tilespmem:$0x410];
	_ =	sdelay $0x1  }
0xd9: {  	v35 =	vld [tilespmem:$0x420]  }
0xda: {  	v33 =	vadd.f32 $0.0e+00, v33  }
0xdb: {  	v36 =	vld [tilespmem:$0x430]  }
0xdc: {  	v33 =	vadd.f32 v34, v33  }
0xdd: {  	v34 =	vld [tilespmem:$0x440]  }
0xde: {  	v33 =	vadd.f32 v35, v33  }
0xdf: {  	v35 =	vld [tilespmem:$0x450]  }
0xe0: {  	v33 =	vadd.f32 v36, v33  }
0xe1: {  	v36 =	vld [tilespmem:$0x460]  }
0xe2: {  	v33 =	vadd.f32 v34, v33  }
0xe3: {  	v34 =	vld [tilespmem:$0x470]  }
0xe4: {  	v33 =	vadd.f32 v35, v33  }
0xe5: {  	v35 =	vld [tilespmem:$0x480]  }
0xe6: {  	v33 =	vadd.f32 v36, v33  }
0xe7: {  	v36 =	vld [tilespmem:$0x490]  }
0xe8: {  	v33 =	vadd.f32 v34, v33  }
0xe9: {  	v34 =	vld [tilespmem:$0x4A0]  }
0xea: {  	v33 =	vadd.f32 v35, v33  }
0xeb: {  	v35 =	vld [tilespmem:$0x4B0]  }
0xec: {  	v33 =	vadd.f32 v36, v33  }
0xed: {  	v36 =	vld [tilespmem:$0x4C0]  }
0xee: {  	v33 =	vadd.f32 v34, v33  }
0xef: {  	v34 =	vld [tilespmem:$0x4D0]  }
0xf0: {  	v33 =	vadd.f32 v35, v33  }
0xf1: {  	v35 =	vld [tilespmem:$0x4E0]  }
0xf2: {  	v33 =	vadd.f32 v36, v33  }
0xf3: {  	v36 =	vld [tilespmem:$0x4F0]  }
0xf4: {  	v33 =	vadd.f32 v34, v33  }
0xf5: {  	v34 =	vld [tilespmem:$0x500]  }
0xf6: {  	v33 =	vadd.f32 v35, v33  }
0xf7: {  	v35 =	vld [tilespmem:$0x510]  }
0xf8: {  	v33 =	vadd.f32 v36, v33  }
0xf9: {  	v36 =	vld [tilespmem:$0x520]  }
.Ltmp1:
0xfa: {  	v34 =	vadd.f32 v34, v33;
	(pc) =	sbr.rel @p0 .LBB2_1-.Ltmp1, $4  }
0xfb: {  	v33 =	vld [tilespmem:$0x530]  }
0xfc: {  	v35 =	vadd.f32 v35, v34  }
0xfd: {  	v34 =	vld [tilespmem:$0x540]  }
0xfe: {  	v35 =	vadd.f32 v36, v35  }
.LBB2_2:
0xff: {  	_ = 	snop  }
0x100: {  	v0 =	vadd.f32 v33, v35  }
0x101: {  	v1 =	vld [tilespmem:$0x560]  }
0x102: {  	v0 =	vadd.f32 v34, v0  }
0x103: {  	v2 =	vld [tilespmem:$0x570]  }
0x104: {  	v0 =	vadd.f32 v32, v0  }
0x105: {  	v3 =	vld [tilespmem:$0x580]  }
0x106: {  	v0 =	vadd.f32 v1, v0  }
0x107: {  	v57 =	vld [tilespmem:$0x590]  }
0x108: {  	v0 =	vadd.f32 v2, v0  }
0x109: {  	v58 =	vld [tilespmem:$0x5A0]  }
0x10a: {  	v0 =	vadd.f32 v3, v0  }
0x10b: {  	v59 =	vld [tilespmem:$0x5B0]  }
0x10c: {  	v0 =	vadd.f32 v57, v0  }
0x10d: {  	v60 =	vld [tilespmem:$0x5C0]  }
0x10e: {  	v0 =	vadd.f32 v58, v0  }
0x10f: {  	v61 =	vld [tilespmem:$0x5D0]  }
0x110: {  	v0 =	vadd.f32 v59, v0  }
0x111: {  	v62 =	vld [tilespmem:$0x5E0]  }
0x112: {  	v0 =	vadd.f32 v60, v0  }
0x113: {  	v63 =	vld [tilespmem:$0x5F0]  }
0x114: {  	v0 =	vadd.f32 v61, v0;
	_ =	sdelay $0x1  }
0x115: {  	v0 =	vadd.f32 v62, v0;
	_ =	sdelay $0x1  }
0x116: {  	v0 =	vadd.f32 v63, v0;
	_ =	sdelay $0x1  }
0x117: {  	[tilespmem:$0x600] =	vst v0  }
0x118: {  	[hbm4b:s16+s2] =	stream.linear.scatter [tilespmem:s17], [sflag:$0x2], $0x80, $0x38;
	[tilespmem:$0x680] =	vst v63  }
0x119: {  	_ =	swait.ge [sflag:s3], $0x80  }
0x11a: {  	[sflag:s3] =	ssyncset.done $0x0  }
0x11b: {  	[sflag:s3] =	ssyncadd.s32 $0xFFFFFF80  }
0x11c: {  	_ =	sfence.sel $0x180000  }
0x11d: {  	[bflag:$0x0] =	sbarrier.arrive $0xFFFF  }
0x11e: {  	p0 =	sne.s32 s0, $0x0;
	_ =	strace $0x90000047  }
0x11f: {  	s0 =	sadd.s32 @!p0 $0x100000, s1;
	[bflag:$0x2] =	sbarrier.arrive $0xFFFF  }
0x120: {  	[sflag:s0] =	ssyncadd.tile.s32 @!p0 $0x1;
	_ =	shalt  }
.Lfunc_end2:
_tile_overlayer_lowered:
.L_overlay_start_2:
0x121: {  	(tag) =	ssettag $0x2  }
0x122: {  	s0 =	rddreg [dreg:$0x0];
	s2 =	stileid.u32  }
0x123: {  	s1 =	rddreg [dreg:$0x1];
	p0 =	sne.s32 s2, $0x0  }
0x124: {  	s3 =	rddreg [dreg:$0x2];
	[bflag:$0x3] =	sbarrier.arrive $0xFFFF;
	s2 =	simm.s32 @!p0 $0x1C02  }
0x125: {  	[timem:s3], [sflag:s2] =	dma.local @!p0 [hbm:s0], s1  }
0x126: {  	s0 =	simm.s32 @!p0 $0x2  }
0x127: {  	_ =	swait.ge @!p0 [sflag:s0], s1  }
0x128: {  	s1 =	ssub.s32 @!p0 $0x0, s1;
	[sflag:s0] =	ssyncset.done @!p0 $0x0  }
0x129: {  	[sflag:s0] =	ssyncadd.s32 @!p0 s1  }
0x12a: {  	[bflag:$0x3] =	sbarrier.arrive $0xFFFF  }
0x12b: {  	_ =	shalt  }

</sc_bundles>
